<compile_context>
chip_gen: v7x
topology: tpu7x:2x2x1
jax: 0.10.2.dev20260603
libtpu: 0.0.44.dev20260713+nightly
codegen_flags: <defaults>
</compile_context>

<pallas_src>
import functools

import jax
import jax.numpy as jnp
from jax import lax
from jax.experimental import pallas as pl
from jax.experimental.pallas import tpu as pltpu
from jax.experimental.pallas import tpu_sc as plsc

BS = 64
NQ = 1024
L = 16
NC = 2
NS = 16
CHUNKS = NQ // L


def _matcher_body(coords_hbm, bcx_hbm, bcy_hbm, bw_hbm, bh_hbm,
                  idx_hbm, cnt_hbm, delta_hbm,
                  boxv, crowA, crowB, irowA, irowB, drowA, drowB,
                  sbuf, outv, cvecv, shared, semA, semB, semX, semO):
    cid = lax.axis_index("c")
    sid = lax.axis_index("s")
    rA = cid * 32 + sid * 2
    rB = rA + 1
    iota = lax.iota(jnp.int32, L)
    nq_v = jnp.full((L,), NQ, jnp.int32)
    one_v = jnp.full((L,), 1, jnp.int32)
    zero_v = jnp.zeros((L,), jnp.int32)
    half_v = jnp.full((L,), 0.5, jnp.float32)
    c127_v = jnp.full((L,), 127, jnp.int32)

    hA = pltpu.async_copy(coords_hbm.at[rA], crowA, semA)
    hB = pltpu.async_copy(coords_hbm.at[rB], crowB, semB)
    h0 = pltpu.async_copy(bcx_hbm, boxv.at[pl.ds(0, BS)], semX)
    h1 = pltpu.async_copy(bcy_hbm, boxv.at[pl.ds(BS, BS)], semX)
    h2 = pltpu.async_copy(bw_hbm, boxv.at[pl.ds(2 * BS, BS)], semX)
    h3 = pltpu.async_copy(bh_hbm, boxv.at[pl.ds(3 * BS, BS)], semX)

    h0.wait()
    h1.wait()
    h2.wait()
    h3.wait()

    def box_vecs(r):
        base = zero_v + r
        cx = plsc.load_gather(boxv, [base])
        cy = plsc.load_gather(boxv, [base + BS])
        w = plsc.load_gather(boxv, [base + 2 * BS])
        h = plsc.load_gather(boxv, [base + 3 * BS])
        return (cx, cy, cx - w * half_v, cx + w * half_v,
                cy - h * half_v, cy + h * half_v)

    cxA, cyA, xminA, xmaxA, yminA, ymaxA = box_vecs(rA)
    cxB, cyB, xminB, xmaxB, yminB, ymaxB = box_vecs(rB)
    hA.wait()
    hB.wait()

    @plsc.parallel_loop(0, CHUNKS, unroll=2, carry=(zero_v, zero_v))
    def _compact(j, carry):
        cA, cB = carry
        qi = j * L + iota
        frow = zero_v + lax.shift_right_logical(j, 3)
        srow = frow * 2
        scol = (j & 7) * L + iota
        plsc.store_scatter(irowA, [frow, scol], nq_v)
        plsc.store_scatter(irowB, [frow, scol], nq_v)
        xA = plsc.load_gather(crowA, [srow, scol])
        yA = plsc.load_gather(crowA, [srow + 1, scol])
        xB = plsc.load_gather(crowB, [srow, scol])
        yB = plsc.load_gather(crowB, [srow + 1, scol])
        mA = (((xA - xminA) * (xA - xmaxA) < 0.0)
              & ((yA - yminA) * (yA - ymaxA) < 0.0))
        mB = (((xB - xminB) * (xB - xmaxB) < 0.0)
              & ((yB - yminB) * (yB - ymaxB) < 0.0))
        plsc.store_scatter(drowA, [srow, scol], cxA - xA)
        plsc.store_scatter(drowA, [srow + 1, scol], cyA - yA)
        plsc.store_scatter(drowB, [srow, scol], cxB - xB)
        plsc.store_scatter(drowB, [srow + 1, scol], cyB - yB)
        pA = plsc.cumsum(jnp.where(mA, one_v, zero_v))
        pB = plsc.cumsum(jnp.where(mB, one_v, zero_v))
        posA = cA + pA - one_v
        posB = cB + pB - one_v
        plsc.store_scatter(
            irowA, [lax.shift_right_logical(posA, 7), posA & c127_v],
            qi, mask=mA)
        plsc.store_scatter(
            irowB, [lax.shift_right_logical(posB, 7), posB & c127_v],
            qi, mask=mB)
        return (cA + plsc.all_reduce_population_count(mA),
                cB + plsc.all_reduce_population_count(mB))

    cA_fin, cB_fin = _compact

    hoA = pltpu.async_copy(irowA, idx_hbm.at[lax.shift_right_logical(rA, 3),
                                             :, rA & 7], semO)
    hoB = pltpu.async_copy(irowB, idx_hbm.at[lax.shift_right_logical(rB, 3),
                                             :, rB & 7], semO)
    hdA = pltpu.async_copy(drowA, delta_hbm.at[rA], semO)
    hdB = pltpu.async_copy(drowB, delta_hbm.at[rB], semO)

    cvecv[...] = jnp.where(iota == 0, cA_fin, cB_fin)
    pltpu.sync_copy(cvecv, shared.at[pl.ds(sid * L, L)])
    plsc.subcore_barrier()

    @pl.when(sid == 0)
    def _assemble():
        pltpu.sync_copy(shared, sbuf)
        for t in range(2):
            iv = t * L + iota
            flat = lax.shift_right_logical(iv, 1) * L + lax.bitwise_and(iv, one_v)
            outv[pl.ds(t * L, L)] = plsc.load_gather(sbuf, [flat])
        pltpu.sync_copy(outv, cnt_hbm.at[pl.ds(cid * 32, 32)])

    hoA.wait()
    hoB.wait()
    hdA.wait()
    hdB.wait()


_matcher = functools.partial(
    pl.kernel,
    mesh=plsc.VectorSubcoreMesh(core_axis_name="c", subcore_axis_name="s"),
    compiler_params=pltpu.CompilerParams(needs_layout_passes=False),
    out_type=(
        jax.ShapeDtypeStruct((8, 8, 8, 128), jnp.int32),
        jax.ShapeDtypeStruct((BS,), jnp.int32),
        jax.ShapeDtypeStruct((BS, 16, 128), jnp.float32),
    ),
    scratch_types=[
        pltpu.VMEM((4 * BS,), jnp.float32),
        pltpu.VMEM((16, 128), jnp.float32),
        pltpu.VMEM((16, 128), jnp.float32),
        pltpu.VMEM((8, 128), jnp.int32),
        pltpu.VMEM((8, 128), jnp.int32),
        pltpu.VMEM((16, 128), jnp.float32),
        pltpu.VMEM((16, 128), jnp.float32),
        pltpu.VMEM((NS * L,), jnp.int32),
        pltpu.VMEM((2 * NS,), jnp.int32),
        pltpu.VMEM((L,), jnp.int32),
        pltpu.VMEM_SHARED((NS * L,), jnp.int32),
        pltpu.SemaphoreType.DMA,
        pltpu.SemaphoreType.DMA,
        pltpu.SemaphoreType.DMA,
        pltpu.SemaphoreType.DMA,
    ],
)(_matcher_body)


def kernel(bilinear_coords, boxes):
    coords = (bilinear_coords.reshape(BS, 8, 128, 2)
              .transpose(0, 1, 3, 2).reshape(BS, 16, 128))
    idx4, cnt, delta = _matcher(coords, boxes[:, 0, 0], boxes[:, 0, 1],
                                boxes[:, 0, 2], boxes[:, 0, 3])
    padded_idx = idx4.transpose(0, 2, 1, 3).reshape(BS, NQ)
    delta_out = (delta.reshape(BS, 8, 2, 128)
                 .transpose(0, 1, 3, 2).reshape(BS, NQ, 2))
    return (padded_idx.astype(jnp.int64), cnt.astype(jnp.int64), delta_out)

# --- scband reference (transcript-rebuilt; emitter-appended) ---
"""Pipeline reference for scband-tracking-matcher-67680094651122 (READ-ONLY COPY).

The authoritative reference and input builder live on the scoring server;
editing this copy changes nothing except your own understanding.
"""

import jax, jax.numpy as jnp
import numpy as np

BS = 64
NQ = 1024

def setup_inputs(seed: int = 0) -> dict:
    key = jax.random.key(seed)
    k1, k2, k3 = jax.random.split(key, 3)
    # query bilinear coordinates in normalized [0,1) image space
    bilinear_coords = jax.random.uniform(k1, (BS, NQ, 2), dtype=jnp.float32)
    # target boxes in cxcywh, one per image, kept inside the image so matches occur
    cxcy = jax.random.uniform(k2, (BS, 1, 2), dtype=jnp.float32) * 0.6 + 0.2
    wh = jax.random.uniform(k3, (BS, 1, 2), dtype=jnp.float32) * 0.4 + 0.1
    boxes = jnp.concatenate([cxcy, wh], axis=-1)
    return {"bilinear_coords": bilinear_coords, "boxes": boxes}

def reference(bilinear_coords, boxes):
    # Faithful vectorized translation of TrackingMatcher.forward.
    # Variable-length per-image index lists are represented in fixed shape:
    #   padded_idx[i, :counts[i]] are the matched query indices (ascending, as in the
    #   original np.arange[mask]); remaining slots are padded with NQ.
    #   The matched target index is always 0 for every matched query (single target),
    #   so the j-array of the original tuples is implicitly zeros of length counts[i].
    bs, num_queries = bilinear_coords.shape[:2]
    cx = boxes[:, 0, 0][:, None]
    cy = boxes[:, 0, 1][:, None]
    w = boxes[:, 0, 2][:, None]
    h = boxes[:, 0, 3][:, None]
    xmin = cx - w / 2
    ymin = cy - h / 2
    xmax = cx + w / 2
    ymax = cy + h / 2
    x = bilinear_coords[..., 0]
    y = bilinear_coords[..., 1]
    index_x = (x - xmin) * (x - xmax)
    index_y = (y - ymin) * (y - ymax)
    mask = (index_x < 0) & (index_y < 0)
    ar = jnp.arange(num_queries)[None, :]
    padded_idx = jnp.sort(jnp.where(mask, ar, num_queries), axis=1).astype(jnp.int64)
    counts = mask.sum(axis=1).astype(jnp.int64)
    delta = jnp.stack([cx - x, cy - y], axis=-1)
    return padded_idx, counts, delta

if __name__ == "__main__":
    import jax
    _d = setup_inputs()
    print(jax.jit(kernel)(*tuple(_d.values())))

</pallas_src>

<mosaic_0001>
#map = affine_map<(d0, d1) -> (0, 0, 0)>
#map1 = affine_map<(d0, d1) -> (0)>
#map2 = affine_map<(d0, d1) -> (0, 0, 0, 0)>
module attributes {stable_mosaic.version = 14 : i64} {
  func.func @_matcher_body(%arg0: i32, %arg1: i32, %arg2: memref<64x16x128xf32, #tpu.memory_space<hbm>>, %arg3: memref<64xf32, #tpu.memory_space<hbm>>, %arg4: memref<64xf32, #tpu.memory_space<hbm>>, %arg5: memref<64xf32, #tpu.memory_space<hbm>>, %arg6: memref<64xf32, #tpu.memory_space<hbm>>, %arg7: memref<8x8x8x128xi32, #tpu.memory_space<hbm>>, %arg8: memref<64xi32, #tpu.memory_space<hbm>>, %arg9: memref<64x16x128xf32, #tpu.memory_space<hbm>>, %arg10: memref<256xf32, #tpu.memory_space<vmem>>, %arg11: memref<16x128xf32, #tpu.memory_space<vmem>>, %arg12: memref<16x128xf32, #tpu.memory_space<vmem>>, %arg13: memref<8x128xi32, #tpu.memory_space<vmem>>, %arg14: memref<8x128xi32, #tpu.memory_space<vmem>>, %arg15: memref<16x128xf32, #tpu.memory_space<vmem>>, %arg16: memref<16x128xf32, #tpu.memory_space<vmem>>, %arg17: memref<256xi32, #tpu.memory_space<vmem>>, %arg18: memref<32xi32, #tpu.memory_space<vmem>>, %arg19: memref<16xi32, #tpu.memory_space<vmem>>, %arg20: memref<256xi32, #tpu.memory_space<vmem_shared>>, %arg21: memref<!tpu.dma_semaphore, #tpu.memory_space<semaphore_mem>>, %arg22: memref<!tpu.dma_semaphore, #tpu.memory_space<semaphore_mem>>, %arg23: memref<!tpu.dma_semaphore, #tpu.memory_space<semaphore_mem>>, %arg24: memref<!tpu.dma_semaphore, #tpu.memory_space<semaphore_mem>>) attributes {dimension_semantics = [#tpu.dimension_semantics<core_parallel>, #tpu.dimension_semantics<subcore_parallel>], iteration_bounds = array<i64: 2, 16>, scalar_prefetch = 0 : i64, scratch_operands = 15 : i64, tpu.core_type = #tpu.core_type<sc_vector_subcore>, window_params = [{transform_indices = #map}, {transform_indices = #map1}, {transform_indices = #map1}, {transform_indices = #map1}, {transform_indices = #map1}, {transform_indices = #map2}, {transform_indices = #map1}, {transform_indices = #map}]} {
    %mul3A = arith.constant 32 : i32
    %mul3A_0 = arith.muli %arg0, %mul3A : i32
    %mul3A_1 = arith.constant 2 : i32
    %mul3A_2 = arith.muli %arg1, %mul3A_1 : i32
    %add3A = arith.addi %mul3A_0, %mul3A_2 : i32
    %add3A_3 = arith.constant 1 : i32
    %add3A_4 = arith.addi %add3A, %add3A_3 : i32
    %iota3A = tpu.iota {dimensions = array<i32: 0>} : vector<16xi32>
    %broadcast_in_dim3A = arith.constant 1024 : i32
    %broadcast_in_dim3A_5 = vector.broadcast %broadcast_in_dim3A : i32 to vector<16xi32>
    %broadcast_in_dim3A_6 = arith.constant 1 : i32
    %broadcast_in_dim3A_7 = vector.broadcast %broadcast_in_dim3A_6 : i32 to vector<16xi32>
    %broadcast_in_dim3A_8 = arith.constant 0 : i32
    %broadcast_in_dim3A_9 = vector.broadcast %broadcast_in_dim3A_8 : i32 to vector<16xi32>
    %broadcast_in_dim3A_10 = arith.constant 5.000000e-01 : f32
    %broadcast_in_dim3A_11 = vector.broadcast %broadcast_in_dim3A_10 : f32 to vector<16xf32>
    %broadcast_in_dim3A_12 = arith.constant 127 : i32
    %broadcast_in_dim3A_13 = vector.broadcast %broadcast_in_dim3A_12 : i32 to vector<16xi32>
    %dma_start3A = arith.constant 0 : i32
    %dma_start3A_14 = arith.constant 0 : i32
    %dma_start3A_15 = tpu.memref_slice %arg2[%add3A, %dma_start3A, %dma_start3A_14] : memref<64x16x128xf32, #tpu.memory_space<hbm>> -> memref<1x16x128xf32, #tpu.memory_space<hbm>>
    %dma_start3A_16 = tpu.memref_squeeze %dma_start3A_15 : memref<1x16x128xf32, #tpu.memory_space<hbm>> -> memref<16x128xf32, #tpu.memory_space<hbm>>
    %dma_start3A_17 = arith.constant 0 : i32
    %dma_start3A_18 = arith.constant 0 : i32
    %dma_start3A_19 = tpu.memref_slice %arg2[%add3A, %dma_start3A_17, %dma_start3A_18] : memref<64x16x128xf32, #tpu.memory_space<hbm>> -> memref<1x16x128xf32, #tpu.memory_space<hbm>>
    %dma_start3A_20 = tpu.memref_squeeze %dma_start3A_19 : memref<1x16x128xf32, #tpu.memory_space<hbm>> -> memref<16x128xf32, #tpu.memory_space<hbm>>
    tpu.enqueue_dma source(%dma_start3A_20 : memref<16x128xf32, #tpu.memory_space<hbm>>) target(%arg11 : memref<16x128xf32, #tpu.memory_space<vmem>>) target_semaphore(%arg21 : memref<!tpu.dma_semaphore, #tpu.memory_space<semaphore_mem>>)
    %dma_start3A_21 = arith.constant 0 : i32
    %dma_start3A_22 = arith.constant 0 : i32
    %dma_start3A_23 = tpu.memref_slice %arg2[%add3A_4, %dma_start3A_21, %dma_start3A_22] : memref<64x16x128xf32, #tpu.memory_space<hbm>> -> memref<1x16x128xf32, #tpu.memory_space<hbm>>
    %dma_start3A_24 = tpu.memref_squeeze %dma_start3A_23 : memref<1x16x128xf32, #tpu.memory_space<hbm>> -> memref<16x128xf32, #tpu.memory_space<hbm>>
    %dma_start3A_25 = arith.constant 0 : i32
    %dma_start3A_26 = arith.constant 0 : i32
    %dma_start3A_27 = tpu.memref_slice %arg2[%add3A_4, %dma_start3A_25, %dma_start3A_26] : memref<64x16x128xf32, #tpu.memory_space<hbm>> -> memref<1x16x128xf32, #tpu.memory_space<hbm>>
    %dma_start3A_28 = tpu.memref_squeeze %dma_start3A_27 : memref<1x16x128xf32, #tpu.memory_space<hbm>> -> memref<16x128xf32, #tpu.memory_space<hbm>>
    tpu.enqueue_dma source(%dma_start3A_28 : memref<16x128xf32, #tpu.memory_space<hbm>>) target(%arg12 : memref<16x128xf32, #tpu.memory_space<vmem>>) target_semaphore(%arg22 : memref<!tpu.dma_semaphore, #tpu.memory_space<semaphore_mem>>)
    %dma_start3A_29 = arith.constant 0 : i32
    %dma_start3A_30 = tpu.memref_slice %arg10[%dma_start3A_29] : memref<256xf32, #tpu.memory_space<vmem>> -> memref<64xf32, #tpu.memory_space<vmem>>
    %dma_start3A_31 = arith.constant 0 : i32
    %dma_start3A_32 = tpu.memref_slice %arg10[%dma_start3A_31] : memref<256xf32, #tpu.memory_space<vmem>> -> memref<64xf32, #tpu.memory_space<vmem>>
    tpu.enqueue_dma source(%arg3 : memref<64xf32, #tpu.memory_space<hbm>>) target(%dma_start3A_32 : memref<64xf32, #tpu.memory_space<vmem>>) target_semaphore(%arg23 : memref<!tpu.dma_semaphore, #tpu.memory_space<semaphore_mem>>)
    %dma_start3A_33 = arith.constant 64 : i32
    %dma_start3A_34 = tpu.memref_slice %arg10[%dma_start3A_33] : memref<256xf32, #tpu.memory_space<vmem>> -> memref<64xf32, #tpu.memory_space<vmem>>
    %dma_start3A_35 = arith.constant 64 : i32
    %dma_start3A_36 = tpu.memref_slice %arg10[%dma_start3A_35] : memref<256xf32, #tpu.memory_space<vmem>> -> memref<64xf32, #tpu.memory_space<vmem>>
    tpu.enqueue_dma source(%arg4 : memref<64xf32, #tpu.memory_space<hbm>>) target(%dma_start3A_36 : memref<64xf32, #tpu.memory_space<vmem>>) target_semaphore(%arg23 : memref<!tpu.dma_semaphore, #tpu.memory_space<semaphore_mem>>)
    %dma_start3A_37 = arith.constant 128 : i32
    %dma_start3A_38 = tpu.memref_slice %arg10[%dma_start3A_37] : memref<256xf32, #tpu.memory_space<vmem>> -> memref<64xf32, #tpu.memory_space<vmem>>
    %dma_start3A_39 = arith.constant 128 : i32
    %dma_start3A_40 = tpu.memref_slice %arg10[%dma_start3A_39] : memref<256xf32, #tpu.memory_space<vmem>> -> memref<64xf32, #tpu.memory_space<vmem>>
    tpu.enqueue_dma source(%arg5 : memref<64xf32, #tpu.memory_space<hbm>>) target(%dma_start3A_40 : memref<64xf32, #tpu.memory_space<vmem>>) target_semaphore(%arg23 : memref<!tpu.dma_semaphore, #tpu.memory_space<semaphore_mem>>)
    %dma_start3A_41 = arith.constant 192 : i32
    %dma_start3A_42 = tpu.memref_slice %arg10[%dma_start3A_41] : memref<256xf32, #tpu.memory_space<vmem>> -> memref<64xf32, #tpu.memory_space<vmem>>
    %dma_start3A_43 = arith.constant 192 : i32
    %dma_start3A_44 = tpu.memref_slice %arg10[%dma_start3A_43] : memref<256xf32, #tpu.memory_space<vmem>> -> memref<64xf32, #tpu.memory_space<vmem>>
    tpu.enqueue_dma source(%arg6 : memref<64xf32, #tpu.memory_space<hbm>>) target(%dma_start3A_44 : memref<64xf32, #tpu.memory_space<vmem>>) target_semaphore(%arg23 : memref<!tpu.dma_semaphore, #tpu.memory_space<semaphore_mem>>)
    %dma_wait3A = arith.constant 0 : i32
    %dma_wait3A_45 = tpu.memref_slice %arg10[%dma_wait3A] : memref<256xf32, #tpu.memory_space<vmem>> -> memref<64xf32, #tpu.memory_space<vmem>>
    %dma_wait3A_46 = arith.constant 0 : i32
    %dma_wait3A_47 = tpu.memref_slice %arg10[%dma_wait3A_46] : memref<256xf32, #tpu.memory_space<vmem>> -> memref<64xf32, #tpu.memory_space<vmem>>
    tpu.wait_dma2 semaphore(%arg23 : memref<!tpu.dma_semaphore, #tpu.memory_space<semaphore_mem>>) src(%arg3 : memref<64xf32, #tpu.memory_space<hbm>>) dst(%dma_wait3A_47 : memref<64xf32, #tpu.memory_space<vmem>>)
    %dma_wait3A_48 = arith.constant 64 : i32
    %dma_wait3A_49 = tpu.memref_slice %arg10[%dma_wait3A_48] : memref<256xf32, #tpu.memory_space<vmem>> -> memref<64xf32, #tpu.memory_space<vmem>>
    %dma_wait3A_50 = arith.constant 64 : i32
    %dma_wait3A_51 = tpu.memref_slice %arg10[%dma_wait3A_50] : memref<256xf32, #tpu.memory_space<vmem>> -> memref<64xf32, #tpu.memory_space<vmem>>
    tpu.wait_dma2 semaphore(%arg23 : memref<!tpu.dma_semaphore, #tpu.memory_space<semaphore_mem>>) src(%arg4 : memref<64xf32, #tpu.memory_space<hbm>>) dst(%dma_wait3A_51 : memref<64xf32, #tpu.memory_space<vmem>>)
    %dma_wait3A_52 = arith.constant 128 : i32
    %dma_wait3A_53 = tpu.memref_slice %arg10[%dma_wait3A_52] : memref<256xf32, #tpu.memory_space<vmem>> -> memref<64xf32, #tpu.memory_space<vmem>>
    %dma_wait3A_54 = arith.constant 128 : i32
    %dma_wait3A_55 = tpu.memref_slice %arg10[%dma_wait3A_54] : memref<256xf32, #tpu.memory_space<vmem>> -> memref<64xf32, #tpu.memory_space<vmem>>
    tpu.wait_dma2 semaphore(%arg23 : memref<!tpu.dma_semaphore, #tpu.memory_space<semaphore_mem>>) src(%arg5 : memref<64xf32, #tpu.memory_space<hbm>>) dst(%dma_wait3A_55 : memref<64xf32, #tpu.memory_space<vmem>>)
    %dma_wait3A_56 = arith.constant 192 : i32
    %dma_wait3A_57 = tpu.memref_slice %arg10[%dma_wait3A_56] : memref<256xf32, #tpu.memory_space<vmem>> -> memref<64xf32, #tpu.memory_space<vmem>>
    %dma_wait3A_58 = arith.constant 192 : i32
    %dma_wait3A_59 = tpu.memref_slice %arg10[%dma_wait3A_58] : memref<256xf32, #tpu.memory_space<vmem>> -> memref<64xf32, #tpu.memory_space<vmem>>
    tpu.wait_dma2 semaphore(%arg23 : memref<!tpu.dma_semaphore, #tpu.memory_space<semaphore_mem>>) src(%arg6 : memref<64xf32, #tpu.memory_space<hbm>>) dst(%dma_wait3A_59 : memref<64xf32, #tpu.memory_space<vmem>>)
    %add3A_60 = vector.broadcast %add3A : i32 to vector<16xi32>
    %add3A_61 = arith.addi %broadcast_in_dim3A_9, %add3A_60 : vector<16xi32>
    %gather3A = tpu.vector_load_idx %arg10[%add3A_61] : memref<256xf32, #tpu.memory_space<vmem>>[vector<16xi32>], vector<16xf32>,
    %add3A_62 = arith.constant 64 : i32
    %add3A_63 = vector.broadcast %add3A_62 : i32 to vector<16xi32>
    %add3A_64 = arith.addi %add3A_61, %add3A_63 : vector<16xi32>
    %gather3A_65 = tpu.vector_load_idx %arg10[%add3A_64] : memref<256xf32, #tpu.memory_space<vmem>>[vector<16xi32>], vector<16xf32>,
    %add3A_66 = arith.constant 128 : i32
    %add3A_67 = vector.broadcast %add3A_66 : i32 to vector<16xi32>
    %add3A_68 = arith.addi %add3A_61, %add3A_67 : vector<16xi32>
    %gather3A_69 = tpu.vector_load_idx %arg10[%add3A_68] : memref<256xf32, #tpu.memory_space<vmem>>[vector<16xi32>], vector<16xf32>,
    %add3A_70 = arith.constant 192 : i32
    %add3A_71 = vector.broadcast %add3A_70 : i32 to vector<16xi32>
    %add3A_72 = arith.addi %add3A_61, %add3A_71 : vector<16xi32>
    %gather3A_73 = tpu.vector_load_idx %arg10[%add3A_72] : memref<256xf32, #tpu.memory_space<vmem>>[vector<16xi32>], vector<16xf32>,
    %mul3A_74 = arith.mulf %gather3A_69, %broadcast_in_dim3A_11 : vector<16xf32>
    %sub3A = arith.subf %gather3A, %mul3A_74 : vector<16xf32>
    %mul3A_75 = arith.mulf %gather3A_69, %broadcast_in_dim3A_11 : vector<16xf32>
    %add3A_76 = arith.addf %gather3A, %mul3A_75 : vector<16xf32>
    %mul3A_77 = arith.mulf %gather3A_73, %broadcast_in_dim3A_11 : vector<16xf32>
    %sub3A_78 = arith.subf %gather3A_65, %mul3A_77 : vector<16xf32>
    %mul3A_79 = arith.mulf %gather3A_73, %broadcast_in_dim3A_11 : vector<16xf32>
    %add3A_80 = arith.addf %gather3A_65, %mul3A_79 : vector<16xf32>
    %add3A_81 = vector.broadcast %add3A_4 : i32 to vector<16xi32>
    %add3A_82 = arith.addi %broadcast_in_dim3A_9, %add3A_81 : vector<16xi32>
    %gather3A_83 = tpu.vector_load_idx %arg10[%add3A_82] : memref<256xf32, #tpu.memory_space<vmem>>[vector<16xi32>], vector<16xf32>,
    %add3A_84 = arith.constant 64 : i32
    %add3A_85 = vector.broadcast %add3A_84 : i32 to vector<16xi32>
    %add3A_86 = arith.addi %add3A_82, %add3A_85 : vector<16xi32>
    %gather3A_87 = tpu.vector_load_idx %arg10[%add3A_86] : memref<256xf32, #tpu.memory_space<vmem>>[vector<16xi32>], vector<16xf32>,
    %add3A_88 = arith.constant 128 : i32
    %add3A_89 = vector.broadcast %add3A_88 : i32 to vector<16xi32>
    %add3A_90 = arith.addi %add3A_82, %add3A_89 : vector<16xi32>
    %gather3A_91 = tpu.vector_load_idx %arg10[%add3A_90] : memref<256xf32, #tpu.memory_space<vmem>>[vector<16xi32>], vector<16xf32>,
    %add3A_92 = arith.constant 192 : i32
    %add3A_93 = vector.broadcast %add3A_92 : i32 to vector<16xi32>
    %add3A_94 = arith.addi %add3A_82, %add3A_93 : vector<16xi32>
    %gather3A_95 = tpu.vector_load_idx %arg10[%add3A_94] : memref<256xf32, #tpu.memory_space<vmem>>[vector<16xi32>], vector<16xf32>,
    %mul3A_96 = arith.mulf %gather3A_91, %broadcast_in_dim3A_11 : vector<16xf32>
    %sub3A_97 = arith.subf %gather3A_83, %mul3A_96 : vector<16xf32>
    %mul3A_98 = arith.mulf %gather3A_91, %broadcast_in_dim3A_11 : vector<16xf32>
    %add3A_99 = arith.addf %gather3A_83, %mul3A_98 : vector<16xf32>
    %mul3A_100 = arith.mulf %gather3A_95, %broadcast_in_dim3A_11 : vector<16xf32>
    %sub3A_101 = arith.subf %gather3A_87, %mul3A_100 : vector<16xf32>
    %mul3A_102 = arith.mulf %gather3A_95, %broadcast_in_dim3A_11 : vector<16xf32>
    %add3A_103 = arith.addf %gather3A_87, %mul3A_102 : vector<16xf32>
    %dma_wait3A_104 = arith.constant 0 : i32
    %dma_wait3A_105 = arith.constant 0 : i32
    %dma_wait3A_106 = tpu.memref_slice %arg2[%add3A, %dma_wait3A_104, %dma_wait3A_105] : memref<64x16x128xf32, #tpu.memory_space<hbm>> -> memref<1x16x128xf32, #tpu.memory_space<hbm>>
    %dma_wait3A_107 = tpu.memref_squeeze %dma_wait3A_106 : memref<1x16x128xf32, #tpu.memory_space<hbm>> -> memref<16x128xf32, #tpu.memory_space<hbm>>
    %dma_wait3A_108 = arith.constant 0 : i32
    %dma_wait3A_109 = arith.constant 0 : i32
    %dma_wait3A_110 = tpu.memref_slice %arg2[%add3A, %dma_wait3A_108, %dma_wait3A_109] : memref<64x16x128xf32, #tpu.memory_space<hbm>> -> memref<1x16x128xf32, #tpu.memory_space<hbm>>
    %dma_wait3A_111 = tpu.memref_squeeze %dma_wait3A_110 : memref<1x16x128xf32, #tpu.memory_space<hbm>> -> memref<16x128xf32, #tpu.memory_space<hbm>>
    tpu.wait_dma2 semaphore(%arg21 : memref<!tpu.dma_semaphore, #tpu.memory_space<semaphore_mem>>) src(%dma_wait3A_111 : memref<16x128xf32, #tpu.memory_space<hbm>>) dst(%arg11 : memref<16x128xf32, #tpu.memory_space<vmem>>)
    %dma_wait3A_112 = arith.constant 0 : i32
    %dma_wait3A_113 = arith.constant 0 : i32
    %dma_wait3A_114 = tpu.memref_slice %arg2[%add3A_4, %dma_wait3A_112, %dma_wait3A_113] : memref<64x16x128xf32, #tpu.memory_space<hbm>> -> memref<1x16x128xf32, #tpu.memory_space<hbm>>
    %dma_wait3A_115 = tpu.memref_squeeze %dma_wait3A_114 : memref<1x16x128xf32, #tpu.memory_space<hbm>> -> memref<16x128xf32, #tpu.memory_space<hbm>>
    %dma_wait3A_116 = arith.constant 0 : i32
    %dma_wait3A_117 = arith.constant 0 : i32
    %dma_wait3A_118 = tpu.memref_slice %arg2[%add3A_4, %dma_wait3A_116, %dma_wait3A_117] : memref<64x16x128xf32, #tpu.memory_space<hbm>> -> memref<1x16x128xf32, #tpu.memory_space<hbm>>
    %dma_wait3A_119 = tpu.memref_squeeze %dma_wait3A_118 : memref<1x16x128xf32, #tpu.memory_space<hbm>> -> memref<16x128xf32, #tpu.memory_space<hbm>>
    tpu.wait_dma2 semaphore(%arg22 : memref<!tpu.dma_semaphore, #tpu.memory_space<semaphore_mem>>) src(%dma_wait3A_119 : memref<16x128xf32, #tpu.memory_space<hbm>>) dst(%arg12 : memref<16x128xf32, #tpu.memory_space<vmem>>)
    %parallel_loop3A = arith.constant 0 : i32
    %parallel_loop3A_120 = arith.constant 64 : i32
    %parallel_loop3A_121 = arith.constant 1 : i32
    %parallel_loop3A_122:2 = scf.for %parallel_loop3A_201 = %parallel_loop3A to %parallel_loop3A_120 step %parallel_loop3A_121 iter_args(%parallel_loop3A_202 = %broadcast_in_dim3A_9, %parallel_loop3A_203 = %broadcast_in_dim3A_9) -> (vector<16xi32>, vector<16xi32>)  : i32 {
      %parallel_loop3A_204 = arith.constant 16 : i32
      %parallel_loop3A_205 = arith.muli %parallel_loop3A_201, %parallel_loop3A_204 : i32
      %parallel_loop3A_206 = vector.broadcast %parallel_loop3A_205 : i32 to vector<16xi32>
      %parallel_loop3A_207 = arith.addi %parallel_loop3A_206, %iota3A : vector<16xi32>
      %parallel_loop3A_208 = arith.constant 3 : i32
      %parallel_loop3A_209 = arith.shrui %parallel_loop3A_201, %parallel_loop3A_208 : i32
      %parallel_loop3A_210 = vector.broadcast %parallel_loop3A_209 : i32 to vector<16xi32>
      %parallel_loop3A_211 = arith.addi %broadcast_in_dim3A_9, %parallel_loop3A_210 : vector<16xi32>
      %parallel_loop3A_212 = arith.constant 2 : i32
      %parallel_loop3A_213 = vector.broadcast %parallel_loop3A_212 : i32 to vector<16xi32>
      %parallel_loop3A_214 = arith.muli %parallel_loop3A_211, %parallel_loop3A_213 : vector<16xi32>
      %parallel_loop3A_215 = arith.constant 7 : i32
      %parallel_loop3A_216 = arith.andi %parallel_loop3A_201, %parallel_loop3A_215 : i32
      %parallel_loop3A_217 = arith.constant 16 : i32
      %parallel_loop3A_218 = arith.muli %parallel_loop3A_216, %parallel_loop3A_217 : i32
      %parallel_loop3A_219 = vector.broadcast %parallel_loop3A_218 : i32 to vector<16xi32>
      %parallel_loop3A_220 = arith.addi %parallel_loop3A_219, %iota3A : vector<16xi32>
      tpu.vector_store_idx %arg13[%parallel_loop3A_211, %parallel_loop3A_220], %broadcast_in_dim3A_5 : memref<8x128xi32, #tpu.memory_space<vmem>>[vector<16xi32>, vector<16xi32>], vector<16xi32>,
      tpu.vector_store_idx %arg14[%parallel_loop3A_211, %parallel_loop3A_220], %broadcast_in_dim3A_5 : memref<8x128xi32, #tpu.memory_space<vmem>>[vector<16xi32>, vector<16xi32>], vector<16xi32>,
      %parallel_loop3A_221 = tpu.vector_load_idx %arg11[%parallel_loop3A_214, %parallel_loop3A_220] : memref<16x128xf32, #tpu.memory_space<vmem>>[vector<16xi32>, vector<16xi32>], vector<16xf32>,
      %parallel_loop3A_222 = arith.constant 1 : i32
      %parallel_loop3A_223 = vector.broadcast %parallel_loop3A_222 : i32 to vector<16xi32>
      %parallel_loop3A_224 = arith.addi %parallel_loop3A_214, %parallel_loop3A_223 : vector<16xi32>
      %parallel_loop3A_225 = tpu.vector_load_idx %arg11[%parallel_loop3A_224, %parallel_loop3A_220] : memref<16x128xf32, #tpu.memory_space<vmem>>[vector<16xi32>, vector<16xi32>], vector<16xf32>,
      %parallel_loop3A_226 = tpu.vector_load_idx %arg12[%parallel_loop3A_214, %parallel_loop3A_220] : memref<16x128xf32, #tpu.memory_space<vmem>>[vector<16xi32>, vector<16xi32>], vector<16xf32>,
      %parallel_loop3A_227 = arith.constant 1 : i32
      %parallel_loop3A_228 = vector.broadcast %parallel_loop3A_227 : i32 to vector<16xi32>
      %parallel_loop3A_229 = arith.addi %parallel_loop3A_214, %parallel_loop3A_228 : vector<16xi32>
      %parallel_loop3A_230 = tpu.vector_load_idx %arg12[%parallel_loop3A_229, %parallel_loop3A_220] : memref<16x128xf32, #tpu.memory_space<vmem>>[vector<16xi32>, vector<16xi32>], vector<16xf32>,
      %parallel_loop3A_231 = arith.subf %parallel_loop3A_221, %sub3A : vector<16xf32>
      %parallel_loop3A_232 = arith.subf %parallel_loop3A_221, %add3A_76 : vector<16xf32>
      %parallel_loop3A_233 = arith.mulf %parallel_loop3A_231, %parallel_loop3A_232 : vector<16xf32>
      %parallel_loop3A_234 = arith.constant 0.000000e+00 : f32
      %parallel_loop3A_235 = vector.broadcast %parallel_loop3A_234 : f32 to vector<16xf32>
      %parallel_loop3A_236 = arith.cmpf olt, %parallel_loop3A_233, %parallel_loop3A_235 : vector<16xf32>
      %parallel_loop3A_237 = arith.subf %parallel_loop3A_225, %sub3A_78 : vector<16xf32>
      %parallel_loop3A_238 = arith.subf %parallel_loop3A_225, %add3A_80 : vector<16xf32>
      %parallel_loop3A_239 = arith.mulf %parallel_loop3A_237, %parallel_loop3A_238 : vector<16xf32>
      %parallel_loop3A_240 = arith.constant 0.000000e+00 : f32
      %parallel_loop3A_241 = vector.broadcast %parallel_loop3A_240 : f32 to vector<16xf32>
      %parallel_loop3A_242 = arith.cmpf olt, %parallel_loop3A_239, %parallel_loop3A_241 : vector<16xf32>
      %parallel_loop3A_243 = arith.andi %parallel_loop3A_236, %parallel_loop3A_242 : vector<16xi1>
      %parallel_loop3A_244 = arith.subf %parallel_loop3A_226, %sub3A_97 : vector<16xf32>
      %parallel_loop3A_245 = arith.subf %parallel_loop3A_226, %add3A_99 : vector<16xf32>
      %parallel_loop3A_246 = arith.mulf %parallel_loop3A_244, %parallel_loop3A_245 : vector<16xf32>
      %parallel_loop3A_247 = arith.constant 0.000000e+00 : f32
      %parallel_loop3A_248 = vector.broadcast %parallel_loop3A_247 : f32 to vector<16xf32>
      %parallel_loop3A_249 = arith.cmpf olt, %parallel_loop3A_246, %parallel_loop3A_248 : vector<16xf32>
      %parallel_loop3A_250 = arith.subf %parallel_loop3A_230, %sub3A_101 : vector<16xf32>
      %parallel_loop3A_251 = arith.subf %parallel_loop3A_230, %add3A_103 : vector<16xf32>
      %parallel_loop3A_252 = arith.mulf %parallel_loop3A_250, %parallel_loop3A_251 : vector<16xf32>
      %parallel_loop3A_253 = arith.constant 0.000000e+00 : f32
      %parallel_loop3A_254 = vector.broadcast %parallel_loop3A_253 : f32 to vector<16xf32>
      %parallel_loop3A_255 = arith.cmpf olt, %parallel_loop3A_252, %parallel_loop3A_254 : vector<16xf32>
      %parallel_loop3A_256 = arith.andi %parallel_loop3A_249, %parallel_loop3A_255 : vector<16xi1>
      %parallel_loop3A_257 = arith.subf %gather3A, %parallel_loop3A_221 : vector<16xf32>
      tpu.vector_store_idx %arg15[%parallel_loop3A_214, %parallel_loop3A_220], %parallel_loop3A_257 : memref<16x128xf32, #tpu.memory_space<vmem>>[vector<16xi32>, vector<16xi32>], vector<16xf32>,
      %parallel_loop3A_258 = arith.constant 1 : i32
      %parallel_loop3A_259 = vector.broadcast %parallel_loop3A_258 : i32 to vector<16xi32>
      %parallel_loop3A_260 = arith.addi %parallel_loop3A_214, %parallel_loop3A_259 : vector<16xi32>
      %parallel_loop3A_261 = arith.subf %gather3A_65, %parallel_loop3A_225 : vector<16xf32>
      tpu.vector_store_idx %arg15[%parallel_loop3A_260, %parallel_loop3A_220], %parallel_loop3A_261 : memref<16x128xf32, #tpu.memory_space<vmem>>[vector<16xi32>, vector<16xi32>], vector<16xf32>,
      %parallel_loop3A_262 = arith.subf %gather3A_83, %parallel_loop3A_226 : vector<16xf32>
      tpu.vector_store_idx %arg16[%parallel_loop3A_214, %parallel_loop3A_220], %parallel_loop3A_262 : memref<16x128xf32, #tpu.memory_space<vmem>>[vector<16xi32>, vector<16xi32>], vector<16xf32>,
      %parallel_loop3A_263 = arith.constant 1 : i32
      %parallel_loop3A_264 = vector.broadcast %parallel_loop3A_263 : i32 to vector<16xi32>
      %parallel_loop3A_265 = arith.addi %parallel_loop3A_214, %parallel_loop3A_264 : vector<16xi32>
      %parallel_loop3A_266 = arith.subf %gather3A_87, %parallel_loop3A_230 : vector<16xf32>
      tpu.vector_store_idx %arg16[%parallel_loop3A_265, %parallel_loop3A_220], %parallel_loop3A_266 : memref<16x128xf32, #tpu.memory_space<vmem>>[vector<16xi32>, vector<16xi32>], vector<16xf32>,
      %parallel_loop3A_267 = arith.select %parallel_loop3A_243, %broadcast_in_dim3A_7, %broadcast_in_dim3A_9 : vector<16xi1>, vector<16xi32>
      %parallel_loop3A_268 = arith.constant true
      %parallel_loop3A_269 = vector.broadcast %parallel_loop3A_268 : i1 to vector<16xi1>
      %parallel_loop3A_270 = tpu.scan <sum>, %parallel_loop3A_267 masked %parallel_loop3A_269 : vector<16xi32>, vector<16xi1> -> vector<16xi32>
      %parallel_loop3A_271 = arith.select %parallel_loop3A_256, %broadcast_in_dim3A_7, %broadcast_in_dim3A_9 : vector<16xi1>, vector<16xi32>
      %parallel_loop3A_272 = arith.constant true
      %parallel_loop3A_273 = vector.broadcast %parallel_loop3A_272 : i1 to vector<16xi1>
      %parallel_loop3A_274 = tpu.scan <sum>, %parallel_loop3A_271 masked %parallel_loop3A_273 : vector<16xi32>, vector<16xi1> -> vector<16xi32>
      %parallel_loop3A_275 = arith.addi %parallel_loop3A_202, %parallel_loop3A_270 : vector<16xi32>
      %parallel_loop3A_276 = arith.subi %parallel_loop3A_275, %broadcast_in_dim3A_7 : vector<16xi32>
      %parallel_loop3A_277 = arith.addi %parallel_loop3A_203, %parallel_loop3A_274 : vector<16xi32>
      %parallel_loop3A_278 = arith.subi %parallel_loop3A_277, %broadcast_in_dim3A_7 : vector<16xi32>
      %parallel_loop3A_279 = arith.constant 7 : i32
      %parallel_loop3A_280 = vector.broadcast %parallel_loop3A_279 : i32 to vector<16xi32>
      %parallel_loop3A_281 = arith.shrui %parallel_loop3A_276, %parallel_loop3A_280 : vector<16xi32>
      %parallel_loop3A_282 = arith.andi %parallel_loop3A_276, %broadcast_in_dim3A_13 : vector<16xi32>
      tpu.vector_store_idx %arg13[%parallel_loop3A_281, %parallel_loop3A_282], %parallel_loop3A_207 masked %parallel_loop3A_243 : memref<8x128xi32, #tpu.memory_space<vmem>>[vector<16xi32>, vector<16xi32>], vector<16xi32>, vector<16xi1>
      %parallel_loop3A_283 = arith.constant 7 : i32
      %parallel_loop3A_284 = vector.broadcast %parallel_loop3A_283 : i32 to vector<16xi32>
      %parallel_loop3A_285 = arith.shrui %parallel_loop3A_278, %parallel_loop3A_284 : vector<16xi32>
      %parallel_loop3A_286 = arith.andi %parallel_loop3A_278, %broadcast_in_dim3A_13 : vector<16xi32>
      tpu.vector_store_idx %arg14[%parallel_loop3A_285, %parallel_loop3A_286], %parallel_loop3A_207 masked %parallel_loop3A_256 : memref<8x128xi32, #tpu.memory_space<vmem>>[vector<16xi32>, vector<16xi32>], vector<16xi32>, vector<16xi1>
      %parallel_loop3A_287 = tpu.all_reduce %parallel_loop3A_243 {dim = 0 : i64, kind = #tpu.reduction_kind<sum>} : vector<16xi1> -> vector<16xi32>
      %parallel_loop3A_288 = arith.addi %parallel_loop3A_202, %parallel_loop3A_287 : vector<16xi32>
      %parallel_loop3A_289 = tpu.all_reduce %parallel_loop3A_256 {dim = 0 : i64, kind = #tpu.reduction_kind<sum>} : vector<16xi1> -> vector<16xi32>
      %parallel_loop3A_290 = arith.addi %parallel_loop3A_203, %parallel_loop3A_289 : vector<16xi32>
      scf.yield %parallel_loop3A_288, %parallel_loop3A_290 : vector<16xi32>, vector<16xi32>
    } {sc.loop_unroll_factor = 2 : i64, sc.parallel_access}
    %shift_right_logical3A = arith.constant 3 : i32
    %shift_right_logical3A_123 = arith.shrui %add3A, %shift_right_logical3A : i32
    %and3A = arith.constant 7 : i32
    %and3A_124 = arith.andi %add3A, %and3A : i32
    %dma_start3A_125 = arith.constant 0 : i32
    %dma_start3A_126 = arith.constant 0 : i32
    %dma_start3A_127 = tpu.memref_slice %arg7[%shift_right_logical3A_123, %dma_start3A_125, %and3A_124, %dma_start3A_126] : memref<8x8x8x128xi32, #tpu.memory_space<hbm>> -> memref<1x8x1x128xi32, #tpu.memory_space<hbm>>
    %dma_start3A_128 = tpu.memref_squeeze %dma_start3A_127 : memref<1x8x1x128xi32, #tpu.memory_space<hbm>> -> memref<8x128xi32, #tpu.memory_space<hbm>>
    %dma_start3A_129 = arith.constant 0 : i32
    %dma_start3A_130 = arith.constant 0 : i32
    %dma_start3A_131 = tpu.memref_slice %arg7[%shift_right_logical3A_123, %dma_start3A_129, %and3A_124, %dma_start3A_130] : memref<8x8x8x128xi32, #tpu.memory_space<hbm>> -> memref<1x8x1x128xi32, #tpu.memory_space<hbm>>
    %dma_start3A_132 = tpu.memref_squeeze %dma_start3A_131 : memref<1x8x1x128xi32, #tpu.memory_space<hbm>> -> memref<8x128xi32, #tpu.memory_space<hbm>>
    tpu.enqueue_dma source(%arg13 : memref<8x128xi32, #tpu.memory_space<vmem>>) target(%dma_start3A_132 : memref<8x128xi32, #tpu.memory_space<hbm>>) target_semaphore(%arg24 : memref<!tpu.dma_semaphore, #tpu.memory_space<semaphore_mem>>)
    %shift_right_logical3A_133 = arith.constant 3 : i32
    %shift_right_logical3A_134 = arith.shrui %add3A_4, %shift_right_logical3A_133 : i32
    %and3A_135 = arith.constant 7 : i32
    %and3A_136 = arith.andi %add3A_4, %and3A_135 : i32
    %dma_start3A_137 = arith.constant 0 : i32
    %dma_start3A_138 = arith.constant 0 : i32
    %dma_start3A_139 = tpu.memref_slice %arg7[%shift_right_logical3A_134, %dma_start3A_137, %and3A_136, %dma_start3A_138] : memref<8x8x8x128xi32, #tpu.memory_space<hbm>> -> memref<1x8x1x128xi32, #tpu.memory_space<hbm>>
    %dma_start3A_140 = tpu.memref_squeeze %dma_start3A_139 : memref<1x8x1x128xi32, #tpu.memory_space<hbm>> -> memref<8x128xi32, #tpu.memory_space<hbm>>
    %dma_start3A_141 = arith.constant 0 : i32
    %dma_start3A_142 = arith.constant 0 : i32
    %dma_start3A_143 = tpu.memref_slice %arg7[%shift_right_logical3A_134, %dma_start3A_141, %and3A_136, %dma_start3A_142] : memref<8x8x8x128xi32, #tpu.memory_space<hbm>> -> memref<1x8x1x128xi32, #tpu.memory_space<hbm>>
    %dma_start3A_144 = tpu.memref_squeeze %dma_start3A_143 : memref<1x8x1x128xi32, #tpu.memory_space<hbm>> -> memref<8x128xi32, #tpu.memory_space<hbm>>
    tpu.enqueue_dma source(%arg14 : memref<8x128xi32, #tpu.memory_space<vmem>>) target(%dma_start3A_144 : memref<8x128xi32, #tpu.memory_space<hbm>>) target_semaphore(%arg24 : memref<!tpu.dma_semaphore, #tpu.memory_space<semaphore_mem>>)
    %dma_start3A_145 = arith.constant 0 : i32
    %dma_start3A_146 = arith.constant 0 : i32
    %dma_start3A_147 = tpu.memref_slice %arg9[%add3A, %dma_start3A_145, %dma_start3A_146] : memref<64x16x128xf32, #tpu.memory_space<hbm>> -> memref<1x16x128xf32, #tpu.memory_space<hbm>>
    %dma_start3A_148 = tpu.memref_squeeze %dma_start3A_147 : memref<1x16x128xf32, #tpu.memory_space<hbm>> -> memref<16x128xf32, #tpu.memory_space<hbm>>
    %dma_start3A_149 = arith.constant 0 : i32
    %dma_start3A_150 = arith.constant 0 : i32
    %dma_start3A_151 = tpu.memref_slice %arg9[%add3A, %dma_start3A_149, %dma_start3A_150] : memref<64x16x128xf32, #tpu.memory_space<hbm>> -> memref<1x16x128xf32, #tpu.memory_space<hbm>>
    %dma_start3A_152 = tpu.memref_squeeze %dma_start3A_151 : memref<1x16x128xf32, #tpu.memory_space<hbm>> -> memref<16x128xf32, #tpu.memory_space<hbm>>
    tpu.enqueue_dma source(%arg15 : memref<16x128xf32, #tpu.memory_space<vmem>>) target(%dma_start3A_152 : memref<16x128xf32, #tpu.memory_space<hbm>>) target_semaphore(%arg24 : memref<!tpu.dma_semaphore, #tpu.memory_space<semaphore_mem>>)
    %dma_start3A_153 = arith.constant 0 : i32
    %dma_start3A_154 = arith.constant 0 : i32
    %dma_start3A_155 = tpu.memref_slice %arg9[%add3A_4, %dma_start3A_153, %dma_start3A_154] : memref<64x16x128xf32, #tpu.memory_space<hbm>> -> memref<1x16x128xf32, #tpu.memory_space<hbm>>
    %dma_start3A_156 = tpu.memref_squeeze %dma_start3A_155 : memref<1x16x128xf32, #tpu.memory_space<hbm>> -> memref<16x128xf32, #tpu.memory_space<hbm>>
    %dma_start3A_157 = arith.constant 0 : i32
    %dma_start3A_158 = arith.constant 0 : i32
    %dma_start3A_159 = tpu.memref_slice %arg9[%add3A_4, %dma_start3A_157, %dma_start3A_158] : memref<64x16x128xf32, #tpu.memory_space<hbm>> -> memref<1x16x128xf32, #tpu.memory_space<hbm>>
    %dma_start3A_160 = tpu.memref_squeeze %dma_start3A_159 : memref<1x16x128xf32, #tpu.memory_space<hbm>> -> memref<16x128xf32, #tpu.memory_space<hbm>>
    tpu.enqueue_dma source(%arg16 : memref<16x128xf32, #tpu.memory_space<vmem>>) target(%dma_start3A_160 : memref<16x128xf32, #tpu.memory_space<hbm>>) target_semaphore(%arg24 : memref<!tpu.dma_semaphore, #tpu.memory_space<semaphore_mem>>)
    %eq3A = arith.constant 0 : i32
    %eq3A_161 = vector.broadcast %eq3A : i32 to vector<16xi32>
    %eq3A_162 = arith.cmpi eq, %iota3A, %eq3A_161 : vector<16xi32>
    %select_n3A = arith.select %eq3A_162, %parallel_loop3A_122#0, %parallel_loop3A_122#1 : vector<16xi1>, vector<16xi32>
    %swap3A = arith.constant 0 : index
    %swap3A_163 = tpu.vector_load %arg19[%swap3A] {strides = array<i32>} : memref<16xi32, #tpu.memory_space<vmem>>, vector<16xi32>,
    tpu.vector_store %arg19[%swap3A], %select_n3A {strides = array<i32>} : memref<16xi32, #tpu.memory_space<vmem>>, vector<16xi32>,
    %mul3A_164 = arith.constant 16 : i32
    %mul3A_165 = arith.muli %arg1, %mul3A_164 : i32
    "tpu.region"() ({
      %run_scoped3A = tpu.sem_alloc : memref<!tpu.dma_semaphore, #tpu.memory_space<semaphore_mem>>
      %dma_start3A_201 = tpu.memref_slice %arg20[%mul3A_165] : memref<256xi32, #tpu.memory_space<vmem_shared>> -> memref<16xi32, #tpu.memory_space<vmem_shared>>
      %dma_start3A_202 = tpu.memref_slice %arg20[%mul3A_165] : memref<256xi32, #tpu.memory_space<vmem_shared>> -> memref<16xi32, #tpu.memory_space<vmem_shared>>
      tpu.enqueue_dma source(%arg19 : memref<16xi32, #tpu.memory_space<vmem>>) target(%dma_start3A_202 : memref<16xi32, #tpu.memory_space<vmem_shared>>) target_semaphore(%run_scoped3A : memref<!tpu.dma_semaphore, #tpu.memory_space<semaphore_mem>>)
      %dma_wait3A_203 = tpu.memref_slice %arg20[%mul3A_165] : memref<256xi32, #tpu.memory_space<vmem_shared>> -> memref<16xi32, #tpu.memory_space<vmem_shared>>
      %dma_wait3A_204 = tpu.memref_slice %arg20[%mul3A_165] : memref<256xi32, #tpu.memory_space<vmem_shared>> -> memref<16xi32, #tpu.memory_space<vmem_shared>>
      tpu.wait_dma2 semaphore(%run_scoped3A : memref<!tpu.dma_semaphore, #tpu.memory_space<semaphore_mem>>) src(%arg19 : memref<16xi32, #tpu.memory_space<vmem>>) dst(%dma_wait3A_204 : memref<16xi32, #tpu.memory_space<vmem_shared>>)
      tpu.yield
    }) : () -> ()
    %barrier3A = arith.constant 0 : index
    tpu.barrier barrier_id(%barrier3A)
    %eq3A_166 = arith.constant 0 : i32
    %eq3A_167 = arith.cmpi eq, %arg1, %eq3A_166 : i32
    %convert_element_type3A = arith.extui %eq3A_167 : i1 to i32
    %cond3A = arith.constant 0 : i32
    %cond3A_168 = arith.cmpi ne, %convert_element_type3A, %cond3A : i32
    scf.if %cond3A_168 {
      "tpu.region"() ({
        %run_scoped3A = tpu.sem_alloc : memref<!tpu.dma_semaphore, #tpu.memory_space<semaphore_mem>>
        tpu.enqueue_dma source(%arg20 : memref<256xi32, #tpu.memory_space<vmem_shared>>) target(%arg17 : memref<256xi32, #tpu.memory_space<vmem>>) target_semaphore(%run_scoped3A : memref<!tpu.dma_semaphore, #tpu.memory_space<semaphore_mem>>)
        tpu.wait_dma2 semaphore(%run_scoped3A : memref<!tpu.dma_semaphore, #tpu.memory_space<semaphore_mem>>) src(%arg20 : memref<256xi32, #tpu.memory_space<vmem_shared>>) dst(%arg17 : memref<256xi32, #tpu.memory_space<vmem>>)
        tpu.yield
      }) : () -> ()
      %add3A_201 = arith.constant 0 : i32
      %add3A_202 = vector.broadcast %add3A_201 : i32 to vector<16xi32>
      %add3A_203 = arith.addi %add3A_202, %iota3A : vector<16xi32>
      %shift_right_logical3A_204 = arith.constant 1 : i32
      %shift_right_logical3A_205 = vector.broadcast %shift_right_logical3A_204 : i32 to vector<16xi32>
      %shift_right_logical3A_206 = arith.shrui %add3A_203, %shift_right_logical3A_205 : vector<16xi32>
      %mul3A_207 = arith.constant 16 : i32
      %mul3A_208 = vector.broadcast %mul3A_207 : i32 to vector<16xi32>
      %mul3A_209 = arith.muli %shift_right_logical3A_206, %mul3A_208 : vector<16xi32>
      %and3A_210 = arith.andi %add3A_203, %broadcast_in_dim3A_7 : vector<16xi32>
      %add3A_211 = arith.addi %mul3A_209, %and3A_210 : vector<16xi32>
      %gather3A_212 = tpu.vector_load_idx %arg17[%add3A_211] : memref<256xi32, #tpu.memory_space<vmem>>[vector<16xi32>], vector<16xi32>,
      %swap3A_213 = arith.constant 0 : index
      %swap3A_214 = tpu.vector_load %arg18[%swap3A_213] {strides = array<i32>} : memref<32xi32, #tpu.memory_space<vmem>>, vector<16xi32>,
      tpu.vector_store %arg18[%swap3A_213], %gather3A_212 {strides = array<i32>} : memref<32xi32, #tpu.memory_space<vmem>>, vector<16xi32>,
      %add3A_215 = arith.constant 16 : i32
      %add3A_216 = vector.broadcast %add3A_215 : i32 to vector<16xi32>
      %add3A_217 = arith.addi %add3A_216, %iota3A : vector<16xi32>
      %shift_right_logical3A_218 = arith.constant 1 : i32
      %shift_right_logical3A_219 = vector.broadcast %shift_right_logical3A_218 : i32 to vector<16xi32>
      %shift_right_logical3A_220 = arith.shrui %add3A_217, %shift_right_logical3A_219 : vector<16xi32>
      %mul3A_221 = arith.constant 16 : i32
      %mul3A_222 = vector.broadcast %mul3A_221 : i32 to vector<16xi32>
      %mul3A_223 = arith.muli %shift_right_logical3A_220, %mul3A_222 : vector<16xi32>
      %and3A_224 = arith.andi %add3A_217, %broadcast_in_dim3A_7 : vector<16xi32>
      %add3A_225 = arith.addi %mul3A_223, %and3A_224 : vector<16xi32>
      %gather3A_226 = tpu.vector_load_idx %arg17[%add3A_225] : memref<256xi32, #tpu.memory_space<vmem>>[vector<16xi32>], vector<16xi32>,
      %swap3A_227 = arith.constant 16 : index
      %swap3A_228 = tpu.vector_load %arg18[%swap3A_227] {strides = array<i32>} : memref<32xi32, #tpu.memory_space<vmem>>, vector<16xi32>,
      tpu.vector_store %arg18[%swap3A_227], %gather3A_226 {strides = array<i32>} : memref<32xi32, #tpu.memory_space<vmem>>, vector<16xi32>,
      %mul3A_229 = arith.constant 32 : i32
      %mul3A_230 = arith.muli %arg0, %mul3A_229 : i32
      "tpu.region"() ({
        %run_scoped3A = tpu.sem_alloc : memref<!tpu.dma_semaphore, #tpu.memory_space<semaphore_mem>>
        %dma_start3A_231 = tpu.memref_slice %arg8[%mul3A_230] : memref<64xi32, #tpu.memory_space<hbm>> -> memref<32xi32, #tpu.memory_space<hbm>>
        %dma_start3A_232 = tpu.memref_slice %arg8[%mul3A_230] : memref<64xi32, #tpu.memory_space<hbm>> -> memref<32xi32, #tpu.memory_space<hbm>>
        tpu.enqueue_dma source(%arg18 : memref<32xi32, #tpu.memory_space<vmem>>) target(%dma_start3A_232 : memref<32xi32, #tpu.memory_space<hbm>>) target_semaphore(%run_scoped3A : memref<!tpu.dma_semaphore, #tpu.memory_space<semaphore_mem>>)
        %dma_wait3A_233 = tpu.memref_slice %arg8[%mul3A_230] : memref<64xi32, #tpu.memory_space<hbm>> -> memref<32xi32, #tpu.memory_space<hbm>>
        %dma_wait3A_234 = tpu.memref_slice %arg8[%mul3A_230] : memref<64xi32, #tpu.memory_space<hbm>> -> memref<32xi32, #tpu.memory_space<hbm>>
        tpu.wait_dma2 semaphore(%run_scoped3A : memref<!tpu.dma_semaphore, #tpu.memory_space<semaphore_mem>>) src(%arg18 : memref<32xi32, #tpu.memory_space<vmem>>) dst(%dma_wait3A_234 : memref<32xi32, #tpu.memory_space<hbm>>)
        tpu.yield
      }) : () -> ()
    } else {
    }
    %dma_wait3A_169 = arith.constant 0 : i32
    %dma_wait3A_170 = arith.constant 0 : i32
    %dma_wait3A_171 = tpu.memref_slice %arg7[%shift_right_logical3A_123, %dma_wait3A_169, %and3A_124, %dma_wait3A_170] : memref<8x8x8x128xi32, #tpu.memory_space<hbm>> -> memref<1x8x1x128xi32, #tpu.memory_space<hbm>>
    %dma_wait3A_172 = tpu.memref_squeeze %dma_wait3A_171 : memref<1x8x1x128xi32, #tpu.memory_space<hbm>> -> memref<8x128xi32, #tpu.memory_space<hbm>>
    %dma_wait3A_173 = arith.constant 0 : i32
    %dma_wait3A_174 = arith.constant 0 : i32
    %dma_wait3A_175 = tpu.memref_slice %arg7[%shift_right_logical3A_123, %dma_wait3A_173, %and3A_124, %dma_wait3A_174] : memref<8x8x8x128xi32, #tpu.memory_space<hbm>> -> memref<1x8x1x128xi32, #tpu.memory_space<hbm>>
    %dma_wait3A_176 = tpu.memref_squeeze %dma_wait3A_175 : memref<1x8x1x128xi32, #tpu.memory_space<hbm>> -> memref<8x128xi32, #tpu.memory_space<hbm>>
    tpu.wait_dma2 semaphore(%arg24 : memref<!tpu.dma_semaphore, #tpu.memory_space<semaphore_mem>>) src(%arg13 : memref<8x128xi32, #tpu.memory_space<vmem>>) dst(%dma_wait3A_176 : memref<8x128xi32, #tpu.memory_space<hbm>>)
    %dma_wait3A_177 = arith.constant 0 : i32
    %dma_wait3A_178 = arith.constant 0 : i32
    %dma_wait3A_179 = tpu.memref_slice %arg7[%shift_right_logical3A_134, %dma_wait3A_177, %and3A_136, %dma_wait3A_178] : memref<8x8x8x128xi32, #tpu.memory_space<hbm>> -> memref<1x8x1x128xi32, #tpu.memory_space<hbm>>
    %dma_wait3A_180 = tpu.memref_squeeze %dma_wait3A_179 : memref<1x8x1x128xi32, #tpu.memory_space<hbm>> -> memref<8x128xi32, #tpu.memory_space<hbm>>
    %dma_wait3A_181 = arith.constant 0 : i32
    %dma_wait3A_182 = arith.constant 0 : i32
    %dma_wait3A_183 = tpu.memref_slice %arg7[%shift_right_logical3A_134, %dma_wait3A_181, %and3A_136, %dma_wait3A_182] : memref<8x8x8x128xi32, #tpu.memory_space<hbm>> -> memref<1x8x1x128xi32, #tpu.memory_space<hbm>>
    %dma_wait3A_184 = tpu.memref_squeeze %dma_wait3A_183 : memref<1x8x1x128xi32, #tpu.memory_space<hbm>> -> memref<8x128xi32, #tpu.memory_space<hbm>>
    tpu.wait_dma2 semaphore(%arg24 : memref<!tpu.dma_semaphore, #tpu.memory_space<semaphore_mem>>) src(%arg14 : memref<8x128xi32, #tpu.memory_space<vmem>>) dst(%dma_wait3A_184 : memref<8x128xi32, #tpu.memory_space<hbm>>)
    %dma_wait3A_185 = arith.constant 0 : i32
    %dma_wait3A_186 = arith.constant 0 : i32
    %dma_wait3A_187 = tpu.memref_slice %arg9[%add3A, %dma_wait3A_185, %dma_wait3A_186] : memref<64x16x128xf32, #tpu.memory_space<hbm>> -> memref<1x16x128xf32, #tpu.memory_space<hbm>>
    %dma_wait3A_188 = tpu.memref_squeeze %dma_wait3A_187 : memref<1x16x128xf32, #tpu.memory_space<hbm>> -> memref<16x128xf32, #tpu.memory_space<hbm>>
    %dma_wait3A_189 = arith.constant 0 : i32
    %dma_wait3A_190 = arith.constant 0 : i32
    %dma_wait3A_191 = tpu.memref_slice %arg9[%add3A, %dma_wait3A_189, %dma_wait3A_190] : memref<64x16x128xf32, #tpu.memory_space<hbm>> -> memref<1x16x128xf32, #tpu.memory_space<hbm>>
    %dma_wait3A_192 = tpu.memref_squeeze %dma_wait3A_191 : memref<1x16x128xf32, #tpu.memory_space<hbm>> -> memref<16x128xf32, #tpu.memory_space<hbm>>
    tpu.wait_dma2 semaphore(%arg24 : memref<!tpu.dma_semaphore, #tpu.memory_space<semaphore_mem>>) src(%arg15 : memref<16x128xf32, #tpu.memory_space<vmem>>) dst(%dma_wait3A_192 : memref<16x128xf32, #tpu.memory_space<hbm>>)
    %dma_wait3A_193 = arith.constant 0 : i32
    %dma_wait3A_194 = arith.constant 0 : i32
    %dma_wait3A_195 = tpu.memref_slice %arg9[%add3A_4, %dma_wait3A_193, %dma_wait3A_194] : memref<64x16x128xf32, #tpu.memory_space<hbm>> -> memref<1x16x128xf32, #tpu.memory_space<hbm>>
    %dma_wait3A_196 = tpu.memref_squeeze %dma_wait3A_195 : memref<1x16x128xf32, #tpu.memory_space<hbm>> -> memref<16x128xf32, #tpu.memory_space<hbm>>
    %dma_wait3A_197 = arith.constant 0 : i32
    %dma_wait3A_198 = arith.constant 0 : i32
    %dma_wait3A_199 = tpu.memref_slice %arg9[%add3A_4, %dma_wait3A_197, %dma_wait3A_198] : memref<64x16x128xf32, #tpu.memory_space<hbm>> -> memref<1x16x128xf32, #tpu.memory_space<hbm>>
    %dma_wait3A_200 = tpu.memref_squeeze %dma_wait3A_199 : memref<1x16x128xf32, #tpu.memory_space<hbm>> -> memref<16x128xf32, #tpu.memory_space<hbm>>
    tpu.wait_dma2 semaphore(%arg24 : memref<!tpu.dma_semaphore, #tpu.memory_space<semaphore_mem>>) src(%arg16 : memref<16x128xf32, #tpu.memory_space<vmem>>) dst(%dma_wait3A_200 : memref<16x128xf32, #tpu.memory_space<hbm>>)
    return
  }
}

</mosaic_0001>

<sc_bundles>
// kernel: kernel.3.cloned.1.call-start
scs
__scs_entry_jumppad:
0x0: {  	(pc) =	sbr.rel $0x88, $3  }
0x1: {  	(tag) =	ssettag $0x0;
	lr =	simm.s32 $0x1  }
0x2: {  	[smem:$0x3F9F] =	sst lr;
	_ =	strace $0xD0000000  }
0x3: {  	_ = 	snop  }
0x4: {  	_ = 	snop  }
0x5: {  	_ = 	snop  }
0x6: {  	_ = 	snop  }
0x7: {  	_ = 	snop  }
__scs_overlays_trampoline_lowered:
0x8: {  	[smem:$0x3FAE] =	sst s0  }
0x9: {  	[smem:$0x3FAF] =	sst s1  }
0xa: {  	[smem:$0x3FB0] =	sst s2  }
0xb: {  	[smem:$0x3FB1] =	sst s3  }
0xc: {  	[smem:$0x3FB2] =	sst s4  }
0xd: {  	[smem:$0x3FB3] =	sst s5  }
0xe: {  	[smem:$0x3FB4] =	sst s6  }
0xf: {  	[smem:$0x3FB5] =	sst s7  }
0x10: {  	[smem:$0x3FB6] =	sst s8  }
0x11: {  	[smem:$0x3FB7] =	sst s9;
	s0 =	simm.s32 @!p0 $0x0  }
0x12: {  	s1 =	sld [smem:$0x3F9D];
	s0 =	simm.s32 @p0 $0x1  }
0x13: {  	[smem:$0x3FB8] =	sst s0;
	s0 =	simm.s32 @!p1 $0x0  }
0x14: {  	s2 =	sld [smem:$0x3F9C];
	s0 =	simm.s32 @p1 $0x1  }
0x15: {  	[smem:$0x3FB9] =	sst s0;
	s0 =	simm.s32 @!p2 $0x0  }
0x16: {  	s3 =	sld [smem:$0x3FDB];
	s0 =	simm.s32 @p2 $0x1  }
0x17: {  	s4 =	simm.s32 $0x1BF5;
	[smem:$0x3FBB] =	sst s0  }
0x18: {  	s0 =	sld [smem:$0x3F9E];
	_ =	swait.ge [sflag:s4], $0x0  }
0x19: {  	s7 =	sld [smem:$0x3F9F]  }
0x1a: {  	s8 =	sadd.s32 $0xFFFFE003, lr  }
0x1b: {  	s9 =	sadd.s32 $0xFFFFFEF7, lr;
	s5 =	simm.s32 $0xFFFFFFFF;
	p2 =	slt.u32 s8, $0xFFFFF086  }
0x1c: {  	p1 =	slt.u32 s9, $0xF7A;
	s5 =	simm.s32 @!p2 $0x0  }
0x1d: {  	s5 =	simm.s32 @p1 $0x1;
	p0 =	seq.s32 s7, s2  }
0x1e: {  	s7 =	smul.u32 @!p0 $0xF7A, s2;
	p2 =	seq.s32 @!p0 s5, $0x0  }
0x1f: {  	s9 =	smul.u32 $0xF7A, s1;
	s8 =	simm.s32 @!p0 $0x1BF5;
	p2 =	por !p2, p0  }
0x20: {  	[sflag:s8] =	ssyncset.s32 @!p0 $0xFFFFF086;
	s6 =	sadd.s32 @!p0 s3, s7;
	s7 =	simm.s32 @!p0 $0x108  }
0x21: {  	s3 =	sadd.s32 s3, s9;
	s6 =	sadd.s32 @!p0 $0x88, s6;
	s7 =	simm.s32 @p2 $0x1082  }
0x22: {  	[simem:s7], [sflag:s8] =	dma.local @!p0 [hbm:s6], $0xF7A  }
0x23: {  	s9 =	sor.u32 $0xD0000000, s2;
	s6 =	simm.s32 $0x108;
	_ =	swait.ge @!p0 [sflag:s8], $0x0  }
0x24: {  	s3 =	sadd.s32 $0x88, s3;
	s6 =	simm.s32 @!p1 $0x1082;
	[sflag:s4] =	ssyncset.s32 $0xFFFFF086  }
0x25: {  	[simem:s6], [sflag:s4] =	dma.local [hbm:s3], $0xF7A  }
0x26: {  	[smem:$0x3F9F] =	sst s1;
	(tag) =	ssettag s2;
	_ =	strace s9  }
0x27: {  	s1 =	sld [smem:$0x3FAF]  }
0x28: {  	s2 =	sld [smem:$0x3FB0]  }
0x29: {  	s4 =	sld [smem:$0x3FB2]  }
0x2a: {  	p0 =	seq.s32 s5, $0x0;
	s5 =	sld [smem:$0x3FB3]  }
0x2b: {  	s6 =	sld [smem:$0x3FB4]  }
0x2c: {  	s7 =	sld [smem:$0x3FB5]  }
0x2d: {  	s3 =	simm.s32 $0x108;
	s8 =	sld [smem:$0x3FB6]  }
0x2e: {  	s3 =	simm.s32 @!p0 $0x1082;
	s9 =	sld [smem:$0x3FB7]  }
0x2f: {  	lr =	sadd.s32 s0, s3;
	s0 =	sld [smem:$0x3FAE]  }
0x30: {  	s3 =	sld [smem:$0x3FB1]  }
0x31: {  	[smem:$0x3FBA] =	sst s10  }
0x32: {  	s10 =	sld [smem:$0x3FB8];
	_ =	sdelay $0x3  }
0x33: {  	p0 =	seq.s32 s10, $0x1;
	s10 =	sld [smem:$0x3FBA];
	_ =	sdelay $0x3  }
0x34: {  	[smem:$0x3FBA] =	sst s10  }
0x35: {  	s10 =	sld [smem:$0x3FB9];
	_ =	sdelay $0x3  }
0x36: {  	p1 =	seq.s32 s10, $0x1;
	s10 =	sld [smem:$0x3FBA];
	_ =	sdelay $0x3  }
0x37: {  	[smem:$0x3FBA] =	sst s10  }
0x38: {  	s10 =	sld [smem:$0x3FBB]  }
0x39: {  	_ = 	snop;
	(pc) =	sbr.ind lr, $3  }
0x3a: {  	_ = 	snop  }
0x3b: {  	_ = 	snop  }
0x3c: {  	p2 =	seq.s32 s10, $0x1;
	s10 =	sld [smem:$0x3FBA]  }
0x3d: {  	_ =	shalt  }
0x3e: {  	_ =	shalt  }
0x3f: {  	_ =	shalt  }
0x40: {  	_ =	shalt  }
0x41: {  	_ =	shalt  }
0x42: {  	_ =	shalt  }
0x43: {  	_ =	shalt  }
0x44: {  	_ =	shalt  }
0x45: {  	_ =	shalt  }
0x46: {  	_ =	shalt  }
0x47: {  	_ =	shalt  }
0x48: {  	_ =	shalt  }
0x49: {  	_ =	shalt  }
0x4a: {  	_ =	shalt  }
0x4b: {  	_ =	shalt  }
0x4c: {  	_ =	shalt  }
0x4d: {  	_ =	shalt  }
0x4e: {  	_ =	shalt  }
0x4f: {  	_ =	shalt  }
0x50: {  	_ =	shalt  }
0x51: {  	_ =	shalt  }
0x52: {  	_ =	shalt  }
0x53: {  	_ =	shalt  }
0x54: {  	_ =	shalt  }
0x55: {  	_ =	shalt  }
0x56: {  	_ =	shalt  }
0x57: {  	_ =	shalt  }
0x58: {  	_ =	shalt  }
0x59: {  	_ =	shalt  }
0x5a: {  	_ =	shalt  }
0x5b: {  	_ =	shalt  }
0x5c: {  	_ =	shalt  }
0x5d: {  	_ =	shalt  }
0x5e: {  	_ =	shalt  }
0x5f: {  	_ =	shalt  }
0x60: {  	_ =	shalt  }
0x61: {  	_ =	shalt  }
0x62: {  	_ =	shalt  }
0x63: {  	_ =	shalt  }
0x64: {  	_ =	shalt  }
0x65: {  	_ =	shalt  }
0x66: {  	_ =	shalt  }
0x67: {  	_ =	shalt  }
0x68: {  	_ =	shalt  }
0x69: {  	_ =	shalt  }
0x6a: {  	_ =	shalt  }
0x6b: {  	_ =	shalt  }
0x6c: {  	_ =	shalt  }
0x6d: {  	_ =	shalt  }
0x6e: {  	_ =	shalt  }
0x6f: {  	_ =	shalt  }
0x70: {  	_ =	shalt  }
0x71: {  	_ =	shalt  }
0x72: {  	_ =	shalt  }
0x73: {  	_ =	shalt  }
0x74: {  	_ =	shalt  }
0x75: {  	_ =	shalt  }
0x76: {  	_ =	shalt  }
0x77: {  	_ =	shalt  }
0x78: {  	_ =	shalt  }
0x79: {  	_ =	shalt  }
0x7a: {  	_ =	shalt  }
0x7b: {  	_ =	shalt  }
0x7c: {  	_ =	shalt  }
0x7d: {  	_ =	shalt  }
0x7e: {  	_ =	shalt  }
0x7f: {  	_ =	shalt  }
0x80: {  	_ =	shalt  }
0x81: {  	_ =	shalt  }
0x82: {  	_ =	shalt  }
0x83: {  	_ =	shalt  }
0x84: {  	_ =	shalt  }
0x85: {  	_ =	shalt  }
0x86: {  	_ =	shalt  }
0x87: {  	_ =	shalt  }
.Lfunc_end0:
.L_simem_size_0:
called_computation_lowered:
.L_overlay_start_0:
0x88: {  	s2 =	sld [smem:$0x3FD9]  }
0x89: {  	s3 =	sld [smem:$0x3FFE];
	_ =	sdelay $0x1  }
0x8a: {  	s1 =	srdreg.scid  }
0x8b: {  	s0 =	sand.u32 $0x1, s1  }
0x8c: {  	s14 =	sshll.u32 s0, $0xA;
	s2 =	sadd.s32 s3, s2  }
0x8d: {  	s2 =	sadd.s32 s2, s14  }
0x8e: {  	[smem:$0x3FC6] =	sst s2  }
0x8f: {  	_ = 	snop  }
0x90: {  	s2 =	sld [smem:$0x3FD0];
	_ =	sdelay $0x2  }
0x91: {  	s4 =	simm.s32 $0xA;
	s5 =	simm.s32 $0x10;
	s15 =	sld [smem:$0x3FC9]  }
0x92: {  	[smem:s5], [sflag:s4] =	dma.local [hbm:s2], $0x1  }
0x93: {  	_ =	swait.eq [sflag:s4], $0x1  }
0x94: {  	s16 =	sld [smem:$0x10];
	[sflag:s4] =	ssyncset.done $0x0  }
0x95: {  	s17 =	sld [smem:$0x11];
	[sflag:s4] =	ssyncadd.s32 $0xFFFFFFFF  }
0x96: {  	s18 =	sld [smem:$0x12];
	(tm) =	ssettm $0x1  }
0x97: {  	s6 =	sld [smem:$0x3FFB];
	_ =	sdelay $0x3  }
0x98: {  	_ =	strace s6  }
0x99: {  	s6 =	sld [smem:$0x3FFC];
	_ =	sdelay $0x3  }
0x9a: {  	_ =	strace s6  }
0x9b: {  	s6 =	sld [smem:$0x3FFD];
	_ =	sdelay $0x3  }
0x9c: {  	_ =	strace s6  }
0x9d: {  	_ =	strace $0x8FFFFFFF  }
0x9e: {  	s19 =	sld [smem:$0x3FDB];
	_ =	sdelay $0x1  }
0x9f: {  	s7 =	simm.s32 $_scs_section_size  }
0xa0: {  	s8 =	simm.s32 $_size__tile_overlayer_lowered;
	s9 =	simm.s32 $_tile_overlayer_lowered  }
0xa1: {  	s22 =	simm.s32 $0x1BFF;
	s21 =	sshll.u32 s9, $0x1;
	s6 =	sadd.s32 s7, s19  }
0xa2: {  	s10 =	simm.s32 $0x0;
	s20 =	sshll.u32 s8, $0x1;
	s8 =	sadd.s32 s21, s6  }
0xa3: {  	[timem:s10], [sflag:s22] =	dma.local [hbm:s8], s20  }
0xa4: {  	_ =	swait.ge [sflag:s22], s20  }
0xa5: {  	s7 =	ssub.s32 $0x0, s20;
	[sflag:s22] =	ssyncset.done $0x0  }
0xa6: {  	[sflag:s22] =	ssyncadd.s32 s7;
	_ =	sdelay $0x1  }
0xa7: {  	s23 =	simm.s32 $0x1B8B  }
0xa8: {  	_ =	swait.ge [sflag:s23], $0x1  }
0xa9: {  	[sflag:s23] =	ssyncset.done $0x0  }
0xaa: {  	s25 =	simm.s32 $0x1B8E;
	s24 =	sld [smem:$0x3FFE];
	[sflag:s23] =	ssyncadd.s32 $0xFFFFFFFF  }
0xab: {  	s26 =	simm.s32 $execute0_lowered;
	[smem:$0x3FD2] =	sst s25  }
0xac: {  	s8 =	sshll.u32 s26, $0x1;
	_ =	strace $0x80000046;
	[dreg:$0x1] =	wrdreg $0xFFFFFFFF  }
0xad: {  	s28 =	simm.s32 $_size_execute0_lowered;
	s6 =	sadd.s32 s6, s8;
	[dreg:$0x0] =	wrdreg $0x0  }
0xae: {  	s8 =	sshll.u32 s28, $0x1;
	[dreg:$0x2] =	wrdreg s6  }
0xaf: {  	[dreg:$0x3] =	wrdreg s8  }
0xb0: {  	[dreg:$0x4] =	wrdreg $0xC0  }
0xb1: {  	_ =	task [dreg:s10], $0x5FFFF  }
0xb2: {  	[dreg:$0x1] =	wrdreg $0xFFFFFFFF  }
0xb3: {  	[dreg:$0x0] =	wrdreg $0x60  }
0xb4: {  	[dreg:$0x2] =	wrdreg s15  }
0xb5: {  	[dreg:$0x3] =	wrdreg s24  }
0xb6: {  	[dreg:$0x4] =	wrdreg s16  }
0xb7: {  	[dreg:$0x5] =	wrdreg s17  }
0xb8: {  	[dreg:$0x6] =	wrdreg s18  }
0xb9: {  	[dreg:$0x7] =	wrdreg $0x2B000  }
0xba: {  	[dreg:$0x8] =	wrdreg $0x9  }
0xbb: {  	_ =	task.clear_ibuf [dreg:s10], $0x9FFFF;
	_ =	strace $0x90000046  }
0xbc: {  	s29 =	simm.s32 $0x9;
	_ =	strace $0x80000048  }
0xbd: {  	_ =	swait.ge [sflag:s29], $0x1  }
0xbe: {  	[sflag:s29] =	ssyncadd.s32 $0xFFFFFFFF  }
0xbf: {  	_ =	strace $0x90000048  }
0xc0: {  	_ =	sfence  }
0xc1: {  	s30 =	sld [smem:$0x0];
	_ =	sdelay $0x2  }
0xc2: {  	s31 =	sshll.u32 s1, $0xD;
	s1 =	sshrl.u32 s1, $0x2  }
0xc3: {  	s3 =	sand.u32 $0x4000, s31;
	s1 =	sadd.s32 s1, s30  }
0xc4: {  	s0 =	sor.u32 s3, s0;
	s1 =	sshll.u32 s1, $0x11  }
0xc5: {  	s0 =	sor.u32 s1, s0  }
0xc6: {  	s0 =	sadd.s32 $0x8F2B, s0  }
0xc7: {  	[sflag:s0] =	ssyncadd.remote.s32 $0x1  }
0xc8: {  	_ =	sfence.sel $0xFFFF  }
0xc9: {  	[dreg:$0x0] =	wrdreg $0xFFFFFFFF;
	(pc) =	sbr.abs _section_cstart, $3  }
0xca: {  	[dreg:$0x1] =	wrdreg $0xFFFFFFFF  }
0xcb: {  	_ =	task.clear_ibuf [dreg:s10], $0x2FFFF;
	_ =	strace $0x9FFFFFFF  }
0xcc: {  	(tm) =	ssettm $0x7FFFFFFF  }
0xcd: {  	_ =	shalt  }
tec
execute0_lowered:
.L_overlay_start_1:
0x0: {  	(tag) =	ssettag $0x1  }
0x1: {  	s0 =	rddreg [dreg:$0x0]  }
0x2: {  	s1 =	rddreg [dreg:$0x1]  }
0x3: {  	s3 =	rddreg [dreg:$0x2]  }
0x4: {  	s4 =	rddreg [dreg:$0x3]  }
0x5: {  	s12 =	rddreg [dreg:$0x4]  }
0x6: {  	s5 =	rddreg [dreg:$0x5];
	s2 =	simm.s32 $0x0  }
0x7: {  	s21 =	srdreg.scid;
	s18 =	stileid.u32;
	s16 =	simm.s32 $0x100  }
0x8: {  	s17 =	simm.s32 $0x900;
	s28 =	simm.s32 $0x2100;
	s29 =	simm.s32 $0x400  }
0x9: {  	s31 =	simm.s32 $0x5;
	[smem:$0x7FF] =	sst s2;
	s6 =	sadd.s32 $0x1000, s1  }
0xa: {  	s20 =	sadd.s32 $0xE00, s1;
	s7 =	sadd.s32 $0xC00, s1;
	s13 =	sand.u32 $0x1, s21  }
0xb: {  	s9 =	sshll.u32 s18, $0x1;
	s1 =	sadd.s32 $0xA00, s1;
	s24 =	sshll.u32 s18, $0x8  }
0xc: {  	s26 =	sshll.u32 s18, $0x4;
	_ =	strace $0x80000047;
	[dreg:$0x7] =	wrdreg s6  }
0xd: {  	s21 =	simm.s32 $0x3;
	p0 =	sne.s32 s18, $0x0;
	[dreg:$0x8] =	wrdreg s20  }
0xe: {  	[dreg:$0x9] =	wrdreg s7;
	s22 =	ssub.s32 $0x2, s13;
	s8 =	sshll.u32 s13, $0x5  }
0xf: {  	[dreg:$0xa] =	wrdreg s1;
	s30 =	sshll.u32 s13, $0x2;
	s13 =	sadd.s32 s26, s5  }
0x10: {  	s26 =	simm.s32 $0x1900;
	s23 =	sshrl.u32 s22, $0x1;
	s19 =	sor.u32 s9, s8  }
0x11: {  	s1 =	ssub.s32 s22, s23;
	s20 =	sor.u32 $0x1, s19;
	s11 =	sshll.u32 s19, $0x8  }
0x12: {  	s8 =	sshll.u32 s19, $0xA;
	v0 =	vmov s19;
	s19 =	simm.s32 $0x80;
	s22 =	simm.s32 $0x1  }
0x13: {  	s23 =	simm.s32 $0x2;
	s10 =	sshll.u32 s20, $0x7;
	s7 =	sadd.s32 s0, s11  }
0x14: {  	s9 =	sor.u32 s24, s8;
	s14 =	sshll.u32 s20, $0x8;
	s11 =	sadd.s32 s12, s11  }
0x15: {  	s15 =	smax.u32 s1, $0x1;
	s24 =	simm.s32 $0x1100;
	s1 =	simm.s32 $0x0  }
0x16: {  	v8 =	vlaneseq.u32;
	v9 =	vimm.s32 $0x400;
	v10 =	vimm.s32 $0x0;
	s8 =	sor.u32 s8, s10;
	s9 =	sand.u32 $0xE300, s9;
	s12 =	sadd.s32 s12, s14  }
0x17: {  	vm0 =	vmmov $0x1;
	vm1 =	vcmask @!p0 $0x1F10;
	v1 =	vor.u32 $0x40, v0;
	s10 =	sand.u32 $0xE380, s8;
	s8 =	sadd.s32 s0, s14;
	s25 =	sshrl.u32 s9, $0x3  }
0x18: {  	v2 =	vor.u32 $0x80, v0;
	v3 =	vmov s20;
	v4 =	vor.u32 $0xC0, v0;
	s14 =	sadd.s32 s4, s30;
	s0 =	simm.s32 $0x4;
	s10 =	sshrl.u32 s10, $0x3  }
0x19: {  	v5 =	vor.u32 $0x40, v3;
	v6 =	vor.u32 $0x80, v3;
	v7 =	vor.u32 $0xC0, v3;
	s9 =	sadd.s32 s3, s25;
	s25 =	simm.s32 $0x1500;
	s10 =	sadd.s32 s3, s10  }
.LBB2_1:
0x1a: {  	[tilespmem:s16], [sflag:$0x1] =	stream.linear.gather [hbm4b:s7+s2], $0x800, $0x38;
	[tilespmem:$0x2B10] =	vst v63  }
0x1b: {  	_ = 	snop  }
0x1c: {  	[tilespmem:s17], [sflag:$0x2] =	stream.linear.gather [hbm4b:s8+s2], $0x800, $0x38;
	[tilespmem:$0x2B10] =	vst v63  }
0x1d: {  	s3 =	rddreg [dreg:$0x7]  }
0x1e: {  	[tilespmem:s2], [sflag:$0x3] =	stream.linear.gather [hbm4b:s3+s2], $0x40, $0x38;
	[tilespmem:$0x2B10] =	vst v63  }
0x1f: {  	s20 =	rddreg [dreg:$0x8];
	s4 =	simm.s32 $0x40  }
0x20: {  	[tilespmem:s4], [sflag:$0x3] =	stream.linear.gather [hbm4b:s20+s2], $0x40, $0x38;
	[tilespmem:$0x2B10] =	vst v63  }
0x21: {  	s5 =	rddreg [dreg:$0x9]  }
0x22: {  	[tilespmem:s19], [sflag:$0x3] =	stream.linear.gather [hbm4b:s5+s2], $0x40, $0x38;
	[tilespmem:$0x2B10] =	vst v63  }
0x23: {  	s6 =	rddreg [dreg:$0xa];
	s18 =	simm.s32 $0xC0  }
0x24: {  	[tilespmem:s18], [sflag:$0x3] =	stream.linear.gather [hbm4b:s6+s2], $0x40, $0x38;
	[tilespmem:$0x2B10] =	vst v63  }
0x25: {  	_ =	swait.ge [sflag:s21], $0x40  }
0x26: {  	[sflag:s21] =	ssyncset.done $0x0  }
0x27: {  	[sflag:s21] =	ssyncadd.s32 $0xFFFFFFC0  }
0x28: {  	_ =	swait.ge [sflag:s21], $0x40  }
0x29: {  	[sflag:s21] =	ssyncset.done $0x0  }
0x2a: {  	[sflag:s21] =	ssyncadd.s32 $0xFFFFFFC0  }
0x2b: {  	_ =	swait.ge [sflag:s21], $0x40  }
0x2c: {  	[sflag:s21] =	ssyncset.done $0x0  }
0x2d: {  	[sflag:s21] =	ssyncadd.s32 $0xFFFFFFC0  }
0x2e: {  	_ =	swait.ge [sflag:s21], $0x40  }
0x2f: {  	[sflag:s21] =	ssyncset.done $0x0  }
0x30: {  	[sflag:s21] =	ssyncadd.s32 $0xFFFFFFC0  }
0x31: {  	v14 =	vld.idx.msk [tilespmem:v0+s2+$0x0], $0xffff  }
0x32: {  	v12 =	vld.idx.msk [tilespmem:v1+s2+$0x0], $0xffff  }
0x33: {  	v16 =	vld.idx.msk [tilespmem:v2+s2+$0x0], $0xffff  }
0x34: {  	v17 =	vld.idx.msk [tilespmem:v4+s2+$0x0], $0xffff  }
0x35: {  	v13 =	vld.idx.msk [tilespmem:v3+s2+$0x0], $0xffff  }
0x36: {  	s3 =	simm.s32 $0x0;
	s20 =	simm.s32 $0x0;
	v11 =	vld.idx.msk [tilespmem:v5+s2+$0x0], $0xffff  }
0x37: {  	v15 =	vmov s20;
	s18 =	sand.u32 $0x60, s3;
	v18 =	vld.idx.msk [tilespmem:v6+s2+$0x0], $0xffff  }
0x38: {  	v20 =	vshll.u32 v15, $0x7;
	v19 =	vor.u32 s18, v8;
	v21 =	vld.idx.msk [tilespmem:v7+s2+$0x0], $0xffff;
	_ =	swait.ge [sflag:s22], $0x800  }
0x39: {  	v22 =	vor.u32 v20, v19;
	[sflag:s22] =	ssyncset.done $0x0  }
0x3a: {  	s30 =	simm.s32 $0x10;
	v23 =	vshll.u32 v15, $0x8;
	[sflag:s22] =	ssyncadd.s32 $0xFFFFF800  }
0x3b: {  	s5 =	sand.u32 $0x70, s30;
	v24 =	vor.u32 $0x80, v23;
	v42 =	vor.u32 v23, v19;
	_ =	swait.ge [sflag:s23], $0x800  }
0x3c: {  	v25 =	vor.u32 s5, v8;
	v15 =	vor.u32 v19, v24;
	[sflag:s23] =	ssyncset.done $0x0  }
0x3d: {  	v26 =	vor.u32 v20, v25;
	[sflag:s23] =	ssyncadd.s32 $0xFFFFF800  }
0x3e: {  	[tilespmem:v22+s24+$0x0] =	vst.idx.msk $0xffff, v9  }
0x3f: {  	v43 =	vor.u32 v23, v25;
	v20 =	vmul.f32 $5.000000000e-01, v16;
	[tilespmem:v22+s25+$0x0] =	vst.idx.msk $0xffff, v9  }
0x40: {  	v17 =	vmul.f32 $5.000000000e-01, v17;
	v28 =	vmul.f32 $5.000000000e-01, v18;
	v27 =	vld.idx.msk [tilespmem:v42+s17+$0x0], $0xffff  }
0x41: {  	v16 =	vor.u32 v24, v25;
	v24 =	vmul.f32 $5.000000000e-01, v21;
	v19 =	vsub.f32 v14, v20;
	v29 =	vld.idx.msk [tilespmem:v15+s17+$0x0], $0xffff  }
0x42: {  	[tilespmem:v26+s24+$0x0] =	vst.idx.msk $0xffff, v9;
	v20 =	vadd.f32 v20, v14;
	v22 =	vsub.f32 v12, v17;
	v31 =	vld.idx.msk [tilespmem:v42+s16+$0x0], $0xffff  }
0x43: {  	v23 =	vadd.f32 v17, v12;
	v18 =	vsub.f32 v13, v28;
	[tilespmem:v26+s25+$0x0] =	vst.idx.msk $0xffff, v9;
	v32 =	vld.idx.msk [tilespmem:v15+s16+$0x0], $0xffff  }
0x44: {  	v21 =	vadd.f32 v28, v13;
	v25 =	vsub.f32 v11, v24;
	v33 =	vld.idx.msk [tilespmem:v43+s16+$0x0], $0xffff  }
0x45: {  	v24 =	vadd.f32 v24, v11;
	v63 =	vld.idx.msk [tilespmem:v43+s17+$0x0], $0xffff;
	v17 =	vsub.f32 v27, v18  }
0x46: {  	v26 =	vsub.f32 v27, v21;
	v44 =	vsub.f32 v13, v27  }
0x47: {  	v27 =	vsub.f32 v29, v25;
	v28 =	vsub.f32 v29, v24  }
0x48: {  	s18 =	simm.s32 $0x20;
	v34 =	vld.idx.msk [tilespmem:v16+s17+$0x0], $0xffff;
	v30 =	vsub.f32 v11, v29;
	v29 =	vsub.f32 v31, v20  }
0x49: {  	s5 =	sand.u32 $0x60, s18;
	v35 =	vld.idx.msk [tilespmem:v16+s16+$0x0], $0xffff;
	v36 =	vsub.f32 v32, v22;
	v37 =	vsub.f32 v33, v19  }
0x4a: {  	v40 =	vor.u32 s5, v8;
	v49 =	vsub.f32 v63, v21;
	v50 =	vsub.f32 v63, v18  }
0x4b: {  	v54 =	vsub.f32 v13, v63;
	v63 =	vsub.f32 v14, v31;
	v17 =	vmul.f32 v26, v17  }
0x4c: {  	v26 =	vsub.f32 v31, v19;
	v27 =	vmul.f32 v28, v27;
	v28 =	vsub.f32 v32, v23  }
0x4d: {  	v38 =	vsub.f32 v34, v25;
	v51 =	vmul.f32 v49, v50;
	vm2 =	vlt.f32 v17, $0.0e+00  }
0x4e: {  	vm3 =	vlt.f32 v27, $0.0e+00;
	v17 =	vsub.f32 v35, v22;
	v27 =	vsub.f32 v35, v23  }
0x4f: {  	s6 =	simm.s32 $0x0;
	v52 =	vsub.f32 v12, v35;
	v28 =	vmul.f32 v28, v36;
	v26 =	vmul.f32 v29, v26  }
0x50: {  	v29 =	vsub.f32 v33, v20;
	v39 =	vmul.f32 v27, v17;
	v17 =	vmov s6  }
0x51: {  	v36 =	vor.u32 s30, v8;
	v41 =	vshll.u32 v17, $0x8;
	v17 =	vshll.u32 v17, $0x7  }
0x52: {  	vm5 =	vmand vm2, vm3;
	v27 =	vsub.f32 v34, v24;
	v45 =	vor.u32 v17, v40  }
0x53: {  	s20 =	simm.s32 $0x30;
	vm2 =	vlt.f32 v28, $0.0e+00;
	vm3 =	vlt.f32 v26, $0.0e+00;
	v29 =	vmul.f32 v29, v37  }
0x54: {  	s6 =	sand.u32 $0x70, s20;
	v34 =	vsub.f32 v11, v34;
	v47 =	vor.u32 $0x80, v41;
	v28 =	vor.u32 v41, v40  }
0x55: {  	v60 =	vmpcnt.ones.xlane vm5;
	v46 =	vor.u32 s6, v8;
	v26 =	vor.u32 v40, v47  }
0x56: {  	[tilespmem:v42+s26+$0x0] =	vst.idx.msk $0xffff, v63;
	vm5 =	vmmov vm5;
	v37 =	vor.u32 s3, v8;
	v48 =	vor.u32 v17, v46  }
0x57: {  	vm3 =	vmand vm3, vm2;
	v38 =	vmul.f32 v27, v38;
	v27 =	vor.u32 v41, v46;
	[tilespmem:v45+s24+$0x0] =	vst.idx.msk $0xffff, v9  }
0x58: {  	v56 =	vsel vm3, $0x1, v10;
	vm6 =	vlt.f32 v29, $0.0e+00;
	v29 =	vsub.f32 v14, v33;
	[tilespmem:v45+s25+$0x0] =	vst.idx.msk $0xffff, v9  }
0x59: {  	vm4 =	vlt.f32 v39, $0.0e+00;
	v57 =	vmpcnt.ones.xlane vm3;
	v17 =	vor.u32 v47, v46;
	(xrf0) =	vadd.scan.msk.s32 $0xffff, v56;
	v58 =	vld.idx.msk [tilespmem:v28+s17+$0x0], $0xffff  }
0x5a: {  	vm4 =	vmand vm6, vm4;
	vm6 =	vlt.f32 v51, $0.0e+00;
	v46 =	vadd.s32 v10, v60;
	[tilespmem:v43+s26+$0x0] =	vst.idx.msk $0xffff, v29;
	v45 =	vld.idx.msk [tilespmem:v26+s17+$0x0], $0xffff  }
0x5b: {  	vm2 =	vlt.f32 v38, $0.0e+00;
	v59 =	vsel vm4, $0x1, v10;
	v60 =	vmpcnt.ones.xlane vm4;
	[tilespmem:v48+s24+$0x0] =	vst.idx.msk $0xffff, v9;
	v40 =	vld.idx.msk [tilespmem:v28+s16+$0x0], $0xffff  }
0x5c: {  	v55 =	vadd.s32 v10, v57;
	vm2 =	vmand vm6, vm2;
	(xrf0) =	vadd.scan.msk.s32 $0xffff, v59;
	[tilespmem:v48+s25+$0x0] =	vst.idx.msk $0xffff, v9;
	v31 =	vld.idx.msk [tilespmem:v26+s16+$0x0], $0xffff  }
0x5d: {  	[tilespmem:v16+s26+$0x0] =	vst.idx.msk $0xffff, v52;
	v61 =	vsel vm2, $0x1, v10;
	v62 =	vmpcnt.ones.xlane vm2;
	v33 =	vadd.s32 v55, v60;
	v38 =	vld.idx.msk [tilespmem:v27+s16+$0x0], $0xffff  }
0x5e: {  	(xrf0) =	vadd.scan.msk.s32 $0xffff, v61;
	v61 =	vsel vm5, $0x1, v10;
	v48 =	vsub.f32 v12, v32;
	v32 =	vld.idx.msk [tilespmem:v17+s17+$0x0], $0xffff;
	v50 =	vsub.f32 v58, v18  }
0x5f: {  	v29 =	vadd.s32 v46, v62;
	v35 =	vld.idx.msk [tilespmem:v17+s16+$0x0], $0xffff;
	v53, _, _ =	vpop (xrf0);
	v51 =	vsub.f32 v58, v21;
	v41 =	vsub.f32 v13, v58  }
0x60: {  	(xrf0) =	vadd.scan.msk.s32 $0xffff, v61;
	v53 =	vadd.s32 v53, v10;
	v39 =	vsub.f32 v11, v45;
	v62 =	vsub.f32 v45, v25  }
0x61: {  	[tilespmem:v15+s26+$0x0] =	vst.idx.msk $0xffff, v48;
	v47 =	vadd.s32 $0xFFFFFFFF, v53;
	v45 =	vsub.f32 v45, v24;
	v63 =	vsub.f32 v31, v22  }
0x62: {  	[tilespmem:v42+s28+$0x0] =	vst.idx.msk $0xffff, v44;
	v42 =	vimm.s32 $0x0;
	v57 =	vsub.f32 v31, v23;
	v48 =	vsub.f32 v38, v19  }
0x63: {  	v58, _, _ =	vpop (xrf0);
	v49 =	vsub.f32 v32, v25;
	v56 =	vmul.f32 v51, v50;
	v45 =	vmul.f32 v45, v62  }
0x64: {  	v55 =	vadd.s32 v58, v55;
	v50 =	vsub.f32 v40, v19;
	v51 =	vsub.f32 v40, v20  }
0x65: {  	[tilespmem:v43+s28+$0x0] =	vst.idx.msk $0xffff, v54;
	v52, _, _ =	vpop (xrf0);
	v53 =	vmul.f32 v57, v63;
	vm6 =	vlt.f32 v56, $0.0e+00;
	vm7 =	vlt.f32 v45, $0.0e+00  }
0x66: {  	s30 =	simm.s32 $0x2;
	s3 =	simm.s32 $0x50;
	v44 =	vld.idx.msk [tilespmem:v27+s17+$0x0], $0xffff;
	v57 =	vsub.f32 v35, v23;
	v54, _, _ =	vpop (xrf0);
	v56 =	vsub.f32 v35, v22;
	vm6 =	vmand vm6, vm7  }
.LBB2_2:
0x67: {  	s30 =	sadd.s32 $0x2, s30;
	s4 =	sadd.s32 $0xFFFFFFF0, s3;
	v50 =	vmul.f32 v51, v50;
	v51 =	vsub.f32 v38, v20;
	v58 =	vadd.s32 v52, v46;
	v43 =	vmovc v28  }
0x68: {  	v52 =	vsub.f32 v32, v24;
	s5 =	sshrl.u32 s30, $0x3;
	s6 =	sand.u32 $0x60, s4;
	p1 =	slt.u32 s30, $0x3E;
	v46 =	vmul.f32 v57, v56;
	[tilespmem:v15+s28+$0x0] =	vst.idx.msk $0xffff, v30;
	v56 =	vadd.s32 $0xFFFFFFFF, v58  }
0x69: {  	vm7 =	vlt.f32 v53, $0.0e+00;
	v45 =	vmovc v27;
	v15 =	vmovc v26;
	v28 =	vmov s5;
	v30 =	vor.u32 s6, v8;
	s5 =	sand.u32 $0x70, s3  }
0x6a: {  	v53 =	vadd.s32 $0xFFFFFFFF, v55;
	v55 =	vmovc v40;
	v57 =	vmovc v33;
	v27 =	vshll.u32 v28, $0x8;
	v26 =	vshll.u32 v28, $0x7  }
0x6b: {  	v54 =	vadd.s32 v54, v42;
	v58 =	vor.u32 s5, v8;
	v40 =	vor.u32 v26, v30;
	[tilespmem:v16+s28+$0x0] =	vst.idx.msk $0xffff, v34  }
0x6c: {  	vm8 =	vlt.f32 v50, $0.0e+00;
	v34 =	vor.u32 $0x80, v27;
	v59 =	vor.u32 v26, v58;
	v16 =	vmovc v17;
	[tilespmem:v47+s24+$0x0] =	vst.idx.msk vm3, v37  }
0x6d: {  	v42 =	vmovc v29;
	v28 =	vor.u32 v27, v30;
	v17 =	vor.u32 v34, v58;
	v47 =	vsub.f32 v44, v21  }
0x6e: {  	v60 =	vmovc v41;
	v50 =	vsub.f32 v44, v18;
	v49 =	vmul.f32 v52, v49;
	v26 =	vor.u32 v30, v34  }
0x6f: {  	v41 =	vmul.f32 v51, v48;
	v48 =	vadd.s32 $0xFFFFFFFF, v54;
	v27 =	vor.u32 v27, v58;
	[tilespmem:v53+s24+$0x0] =	vst.idx.msk vm4, v36  }
0x70: {  	vm3 =	vmand vm8, vm7;
	vm7 =	vlt.f32 v49, $0.0e+00;
	v34 =	vsub.f32 v11, v32;
	v30 =	vmovc v39;
	[tilespmem:v40+s24+$0x0] =	vst.idx.msk $0xffff, v9  }
0x71: {  	v54 =	vsub.f32 v13, v44;
	v32 =	vmul.f32 v47, v50;
	vm4 =	vlt.f32 v46, $0.0e+00;
	[tilespmem:v59+s24+$0x0] =	vst.idx.msk $0xffff, v9  }
0x72: {  	vm8 =	vlt.f32 v41, $0.0e+00;
	v39 =	vsel vm3, $0x1, v10;
	v44 =	vmpcnt.ones.xlane vm3;
	[tilespmem:v40+s25+$0x0] =	vst.idx.msk $0xffff, v9  }
0x73: {  	v38 =	vsub.f32 v14, v38;
	vm4 =	vmand vm8, vm4;
	vm8 =	vlt.f32 v32, $0.0e+00;
	[tilespmem:v56+s25+$0x0] =	vst.idx.msk vm2, v36  }
0x74: {  	v32 =	vsel vm4, $0x1, v10;
	vm2 =	vmand vm8, vm7;
	v41 =	vld.idx.msk [tilespmem:v28+s17+$0x0], $0xffff;
	(xrf0) =	vadd.scan.msk.s32 $0xffff, v39;
	[tilespmem:v48+s25+$0x0] =	vst.idx.msk vm5, v37  }
0x75: {  	v36 =	vmpcnt.ones.xlane vm6;
	v37 =	vsel vm2, $0x1, v10;
	v39 =	vmpcnt.ones.xlane vm2;
	v47 =	vld.idx.msk [tilespmem:v26+s17+$0x0], $0xffff;
	(xrf0) =	vadd.scan.msk.s32 $0xffff, v32  }
0x76: {  	v48 =	vsub.f32 v12, v31;
	vm5 =	vmmov vm6;
	v40 =	vld.idx.msk [tilespmem:v28+s16+$0x0], $0xffff;
	[tilespmem:v59+s25+$0x0] =	vst.idx.msk $0xffff, v9;
	(xrf0) =	vadd.scan.msk.s32 $0xffff, v37  }
0x77: {  	v49 =	vsub.f32 v14, v55;
	v53 =	vsub.f32 v12, v35;
	v46 =	vadd.s32 v29, v36;
	v32 =	vld.idx.msk [tilespmem:v17+s17+$0x0], $0xffff  }
0x78: {  	v52 =	vmpcnt.ones.xlane vm4;
	v36 =	vor.u32 s20, v8;
	s20 =	smov.u32 s3;
	v29 =	vadd.s32 v46, v39;
	v31 =	vld.idx.msk [tilespmem:v26+s16+$0x0], $0xffff;
	[tilespmem:v45+s26+$0x0] =	vst.idx.msk $0xffff, v38  }
0x79: {  	v55 =	vadd.s32 v33, v44;
	v37 =	vor.u32 s18, v8;
	s18 =	smov.u32 s4;
	v38 =	vld.idx.msk [tilespmem:v27+s16+$0x0], $0xffff;
	[tilespmem:v43+s26+$0x0] =	vst.idx.msk $0xffff, v49;
	v49 =	vsel vm5, $0x1, v10  }
0x7a: {  	v33 =	vadd.s32 v55, v52;
	v44 =	vsub.f32 v41, v18;
	v51 =	vsub.f32 v41, v21;
	v35 =	vld.idx.msk [tilespmem:v17+s16+$0x0], $0xffff;
	v50, _, _ =	vpop (xrf0)  }
0x7b: {  	v41 =	vsub.f32 v13, v41;
	v39 =	vsub.f32 v11, v47;
	v56 =	vadd.s32 v50, v57;
	(xrf0) =	vadd.scan.msk.s32 $0xffff, v49;
	v58, _, _ =	vpop (xrf0)  }
0x7c: {  	v49 =	vmul.f32 v51, v44;
	v44 =	vsub.f32 v47, v25;
	v57 =	vsub.f32 v47, v24;
	v52, _, _ =	vpop (xrf0)  }
.Ltmp0:
0x7d: {  	v50 =	vsub.f32 v40, v19;
	v51 =	vsub.f32 v40, v20;
	v47 =	vadd.s32 $0xFFFFFFFF, v56;
	[tilespmem:v15+s26+$0x0] =	vst.idx.msk $0xffff, v48;
	(pc) =	sbr.rel @p1 .LBB2_2-.Ltmp0, $4  }
0x7e: {  	v56 =	vsub.f32 v31, v22;
	v59 =	vsub.f32 v31, v23;
	v57 =	vmul.f32 v57, v44;
	v44 =	vld.idx.msk [tilespmem:v27+s17+$0x0], $0xffff  }
0x7f: {  	vm6 =	vlt.f32 v49, $0.0e+00;
	v49 =	vsub.f32 v32, v25;
	v48 =	vsub.f32 v38, v19;
	[tilespmem:v16+s26+$0x0] =	vst.idx.msk $0xffff, v53  }
0x80: {  	v53 =	vmul.f32 v59, v56;
	vm7 =	vlt.f32 v57, $0.0e+00;
	v56 =	vsub.f32 v35, v22;
	[tilespmem:v43+s28+$0x0] =	vst.idx.msk $0xffff, v60  }
0x81: {  	s3 =	sadd.s32 $0x20, s3;
	v55 =	vadd.s32 v58, v55;
	v57 =	vsub.f32 v35, v23;
	vm6 =	vmand vm6, vm7;
	[tilespmem:v45+s28+$0x0] =	vst.idx.msk $0xffff, v54;
	v54, _, _ =	vpop (xrf0)  }
0x82: {  	v19 =	vmul.f32 v51, v50  }
0x83: {  	v20 =	vsub.f32 v38, v20;
	v22 =	vadd.s32 v52, v46;
	v24 =	vsub.f32 v32, v24  }
0x84: {  	vm7 =	vlt.f32 v53, $0.0e+00;
	v25 =	vadd.s32 $0xFFFFFFFF, v55;
	v42 =	vadd.s32 v54, v42  }
0x85: {  	v23 =	vmul.f32 v57, v56;
	v21 =	vsub.f32 v44, v21;
	v18 =	vsub.f32 v44, v18  }
0x86: {  	vm8 =	vlt.f32 v19, $0.0e+00;
	v62 =	vmul.f32 v24, v49;
	v20 =	vmul.f32 v20, v48  }
0x87: {  	[tilespmem:v15+s28+$0x0] =	vst.idx.msk $0xffff, v30;
	v63 =	vadd.s32 $0xFFFFFFFF, v42;
	vm7 =	vmand vm8, vm7;
	v18 =	vmul.f32 v21, v18  }
0x88: {  	[tilespmem:v16+s28+$0x0] =	vst.idx.msk $0xffff, v34;
	vm14 =	vlt.f32 v23, $0.0e+00;
	vm9 =	vlt.f32 v62, $0.0e+00;
	vm10 =	vlt.f32 v20, $0.0e+00  }
0x89: {  	[tilespmem:v47+s24+$0x0] =	vst.idx.msk vm3, v37;
	v42 =	vsel vm7, $0x1, v10;
	vm8 =	vmand vm10, vm14;
	vm15 =	vlt.f32 v18, $0.0e+00  }
0x8a: {  	v47 =	vsub.f32 v14, v38;
	(xrf0) =	vadd.scan.msk.s32 $0xffff, v42;
	vm9 =	vmand vm15, vm9;
	v43 =	vsel vm8, $0x1, v10  }
0x8b: {  	vm3 =	vmmov vm6;
	v48 =	vsub.f32 v14, v40;
	v45 =	vsel vm9, $0x1, v10;
	(xrf0) =	vadd.scan.msk.s32 $0xffff, v43  }
0x8c: {  	v53 =	vsub.f32 v12, v35;
	v46 =	vsel vm3, $0x1, v10;
	[tilespmem:v27+s26+$0x0] =	vst.idx.msk $0xffff, v47;
	(xrf0) =	vadd.scan.msk.s32 $0xffff, v45  }
0x8d: {  	v22 =	vadd.s32 $0xFFFFFFFF, v22;
	[tilespmem:v28+s26+$0x0] =	vst.idx.msk $0xffff, v48;
	(xrf0) =	vadd.scan.msk.s32 $0xffff, v46  }
0x8e: {  	v50 =	vsub.f32 v12, v31;
	[tilespmem:v17+s26+$0x0] =	vst.idx.msk $0xffff, v53  }
0x8f: {  	v13 =	vsub.f32 v13, v44;
	v49 =	vmpcnt.ones.xlane vm7;
	[tilespmem:v25+s24+$0x0] =	vst.idx.msk vm4, v36  }
0x90: {  	v52 =	vmpcnt.ones.xlane vm6;
	[tilespmem:v26+s26+$0x0] =	vst.idx.msk $0xffff, v50;
	v51, _, _ =	vpop (xrf0)  }
0x91: {  	[tilespmem:v27+s28+$0x0] =	vst.idx.msk $0xffff, v13;
	v54 =	vadd.s32 v33, v49;
	v55 =	vadd.s32 v51, v33;
	v56, _, _ =	vpop (xrf0)  }
0x92: {  	v57 =	vadd.s32 v29, v52;
	[tilespmem:v22+s25+$0x0] =	vst.idx.msk vm2, v36;
	v15 =	vadd.s32 $0xFFFFFFFF, v55;
	v58, _, _ =	vpop (xrf0);
	v59 =	vadd.s32 v56, v54  }
0x93: {  	v11 =	vsub.f32 v11, v32;
	[tilespmem:v63+s25+$0x0] =	vst.idx.msk vm5, v37;
	v60, _, _ =	vpop (xrf0);
	v19 =	vadd.s32 v58, v57;
	v12 =	vadd.s32 $0xFFFFFFFF, v59  }
0x94: {  	[tilespmem:v28+s28+$0x0] =	vst.idx.msk $0xffff, v41;
	v61 =	vadd.s32 $0xFFFFFFFF, v19;
	v16 =	vadd.s32 v60, v29  }
0x95: {  	[tilespmem:v17+s28+$0x0] =	vst.idx.msk $0xffff, v11;
	v16 =	vadd.s32 $0xFFFFFFFF, v16  }
0x96: {  	v62 =	vor.u32 s18, v8;
	[tilespmem:v26+s28+$0x0] =	vst.idx.msk $0xffff, v39  }
0x97: {  	v11 =	vor.u32 s20, v8;
	[tilespmem:v15+s24+$0x0] =	vst.idx.msk vm7, v62  }
0x98: {  	[tilespmem:v12+s24+$0x0] =	vst.idx.msk vm8, v11  }
0x99: {  	[tilespmem:v61+s25+$0x0] =	vst.idx.msk vm9, v11  }
0x9a: {  	[tilespmem:v16+s25+$0x0] =	vst.idx.msk vm6, v62  }
0x9b: {  	[hbm4b:s9+s19] =	stream.strided.scatter [tilespmem:s24], [sflag:$0x4], $0x400, s29, s19, $0x38;
	[tilespmem:$0x2B10] =	vst v63  }
0x9c: {  	_ = 	snop  }
0x9d: {  	[hbm4b:s10+s19] =	stream.strided.scatter [tilespmem:s25], [sflag:$0x4], $0x400, s29, s19, $0x38;
	[tilespmem:$0x2B10] =	vst v63  }
0x9e: {  	v63 =	vmpcnt.ones.xlane vm8;
	v11 =	vmpcnt.ones.xlane vm9  }
0x9f: {  	[hbm4b:s11+s2] =	stream.linear.scatter [tilespmem:s26], [sflag:$0x4], $0x800, $0x38;
	[tilespmem:$0x2B10] =	vst v63  }
0xa0: {  	v12 =	vadd.s32 v54, v63;
	v11 =	vadd.s32 v57, v11  }
0xa1: {  	v11 =	vsel vm0, v12, v11;
	[hbm4b:s12+s2] =	stream.linear.scatter [tilespmem:s28], [sflag:$0x4], $0x800, $0x38;
	[tilespmem:$0x2B10] =	vst v63  }
0xa2: {  	s3 =	simm.s32 $0x2A80;
	v14 =	vimm.s32 @!p0 $0x31302120;
	[tilespmem:$0x2A80] =	vst v11  }
0xa3: {  	v14 =	vunpack.c.0.s8.s32 @!p0 v14;
	[spmem:s13] =	stream.linear.scatter [tilespmem:s3], [sflag:$0x5], $0x10, $0x38;
	[tilespmem:$0x2B10] =	vst v63  }
0xa4: {  	v13 =	vimm.s32 @!p0 $0x11100100;
	v12 =	vimm.s32 @!p0 $0x71706160;
	v11 =	vimm.s32 @!p0 $0x51504140;
	_ =	swait.ge [sflag:s31], $0x10  }
0xa5: {  	v13 =	vunpack.c.0.s8.s32 @!p0 v13;
	v12 =	vunpack.c.0.s8.s32 @!p0 v12;
	v11 =	vunpack.c.0.s8.s32 @!p0 v11;
	[sflag:s31] =	ssyncset.done $0x0  }
0xa6: {  	[sflag:s31] =	ssyncadd.s32 $0xFFFFFFF0  }
0xa7: {  	v11 =	vsel @!p0 vm1, v12, v11;
	v12 =	vsel @!p0 vm1, v14, v13;
	[bflag:$0x0] =	sbarrier.arrive $0xFFFF  }
0xa8: {  	v15 =	vimm.s32 @!p0 $0xB1B0A1A0;
	s3 =	simm.s32 @!p0 $0x2900;
	v13 =	vimm.s32 @!p0 $0xD1D0C1C0;
	v11 =	vcombine.low @!p0 v12, v11;
	s4 =	rddreg [dreg:$0x5]  }
0xa9: {  	v14 =	vimm.s32 @!p0 $0x91908180;
	v12 =	vunpack.c.0.s8.s32 @!p0 v13;
	v13 =	vimm.s32 @!p0 $0xF1F0E1E0;
	[tilespmem:s3], [sflag:$0x5] =	stream.linear.gather @!p0 [spmem:s4], $0x100, $0x38;
	[tilespmem:$0x2B10] =	vst v63  }
0xaa: {  	v15 =	vunpack.c.0.s8.s32 @!p0 v15;
	v14 =	vunpack.c.0.s8.s32 @!p0 v14;
	v13 =	vunpack.c.0.s8.s32 @!p0 v13;
	s4 =	simm.s32 @!p0 $0x5  }
0xab: {  	_ =	swait.ge @!p0 [sflag:s4], $0x100  }
0xac: {  	v12 =	vsel @!p0 vm1, v13, v12;
	v13 =	vsel @!p0 vm1, v15, v14;
	[sflag:s4] =	ssyncset.done @!p0 $0x0  }
0xad: {  	v12 =	vcombine.low @!p0 v13, v12;
	[sflag:s4] =	ssyncadd.s32 @!p0 $0xFFFFFF00  }
0xae: {  	v11 =	vld.idx.msk @!p0 [tilespmem:v11+s3+$0x0], $0xffff  }
0xaf: {  	v12 =	vand.u32 @!p0 $0xFF, v12;
	_ =	sdelay $0x3  }
0xb0: {  	[tilespmem:$0x2A00] =	vst @!p0 v11  }
0xb1: {  	v11 =	vld.idx.msk @!p0 [tilespmem:v12+s3+$0x0], $0xffff;
	_ =	sdelay $0x4  }
0xb2: {  	s5 =	simm.s32 @!p0 $0x2A00;
	s3 =	simm.s32 @!p0 $0x0;
	[tilespmem:$0x2A10] =	vst @!p0 v11  }
0xb3: {  	[hbm4b:s14+s3] =	stream.linear.scatter @!p0 [tilespmem:s5], [sflag:$0x5], $0x20, $0x38;
	[tilespmem:$0x2B10] =	vst v63  }
0xb4: {  	_ =	swait.ge @!p0 [sflag:s4], $0x20  }
0xb5: {  	[sflag:s4] =	ssyncset.done @!p0 $0x0  }
0xb6: {  	[sflag:s4] =	ssyncadd.s32 @!p0 $0xFFFFFFE0  }
0xb7: {  	_ =	swait.ge [sflag:s0], $0x400  }
0xb8: {  	[sflag:s0] =	ssyncset.done $0x0  }
0xb9: {  	[sflag:s0] =	ssyncadd.s32 $0xFFFFFC00  }
0xba: {  	_ =	swait.ge [sflag:s0], $0x400  }
0xbb: {  	[sflag:s0] =	ssyncset.done $0x0  }
0xbc: {  	s1 =	sadd.s32 $0x1, s1;
	[sflag:s0] =	ssyncadd.s32 $0xFFFFFC00  }
0xbd: {  	p1 =	sne.s32 s1, s15;
	_ =	swait.ge [sflag:s0], $0x800  }
.Ltmp1:
0xbe: {  	[sflag:s0] =	ssyncset.done $0x0;
	(pc) =	sbr.rel @p1 .LBB2_1-.Ltmp1, $4  }
0xbf: {  	[sflag:s0] =	ssyncadd.s32 $0xFFFFF800  }
0xc0: {  	_ =	swait.ge [sflag:s0], $0x800  }
0xc1: {  	[sflag:s0] =	ssyncset.done $0x0  }
0xc2: {  	[sflag:s0] =	ssyncadd.s32 $0xFFFFF800  }
0xc3: {  	_ =	sfence.sel $0x180000  }
0xc4: {  	[bflag:$0x0] =	sbarrier.arrive $0xFFFF  }
0xc5: {  	_ =	strace $0x90000047  }
0xc6: {  	[bflag:$0x2] =	sbarrier.arrive $0xFFFF  }
0xc7: {  	s0 =	rddreg [dreg:$0x6]  }
0xc8: {  	s0 =	sadd.s32 @!p0 $0x100000, s0  }
0xc9: {  	[sflag:s0] =	ssyncadd.tile.s32 @!p0 $0x1;
	_ =	shalt  }
.Lfunc_end2:
_tile_overlayer_lowered:
.L_overlay_start_2:
0xca: {  	(tag) =	ssettag $0x2  }
0xcb: {  	s0 =	rddreg [dreg:$0x0];
	s2 =	stileid.u32  }
0xcc: {  	s1 =	rddreg [dreg:$0x1];
	p0 =	sne.s32 s2, $0x0  }
0xcd: {  	s3 =	rddreg [dreg:$0x2];
	[bflag:$0x3] =	sbarrier.arrive $0xFFFF;
	s2 =	simm.s32 @!p0 $0x1C05  }
0xce: {  	[timem:s3], [sflag:s2] =	dma.local @!p0 [hbm:s0], s1  }
0xcf: {  	s0 =	simm.s32 @!p0 $0x5  }
0xd0: {  	_ =	swait.ge @!p0 [sflag:s0], s1  }
0xd1: {  	s1 =	ssub.s32 @!p0 $0x0, s1;
	[sflag:s0] =	ssyncset.done @!p0 $0x0  }
0xd2: {  	[sflag:s0] =	ssyncadd.s32 @!p0 s1  }
0xd3: {  	[bflag:$0x3] =	sbarrier.arrive $0xFFFF  }
0xd4: {  	_ =	shalt  }

</sc_bundles>
